<compile_context>
chip_gen: v7x
topology: tpu7x:2x2x1
jax: 0.10.2.dev20260603
libtpu: 0.0.44.dev20260713+nightly
codegen_flags: <defaults>
</compile_context>

<pallas_src>
import jax
import jax.numpy as jnp
from jax import lax
from jax.experimental import pallas as pl
from jax.experimental.pallas import tpu as pltpu
from jax.experimental.pallas import tpu_sc as plsc

_N = 22500
_PER_W = 1408
_VREGS = _PER_W // 16

_F32 = jnp.float32
_I32 = jnp.int32


_AW = [184.0, 368.0, 736.0, 128.0, 256.0, 512.0, 88.0, 176.0, 352.0]
_AH = [96.0, 192.0, 384.0, 128.0, 256.0, 512.0, 176.0, 352.0, 704.0]


def _table9(t, vals):
    v = jnp.full((16,), vals[8], _F32)
    for k in range(7, -1, -1):
        v = jnp.where(t == k, vals[k], v)
    return v


def _sc_body(delta, score, out_hbm, dbuf_v, p01i_v, k0_v,
             misc_v, score_v, cnt_all_v, out_v, zbuf_v, cnt_sh):
    cid = lax.axis_index("c")
    sid = lax.axis_index("s")
    base = sid * _PER_W

    for r in range(4):
        pltpu.sync_copy(delta.at[r, pl.ds(base, _PER_W)], dbuf_v.at[r])

    lane = lax.iota(_I32, 16)
    zero_i = jnp.zeros((16,), _I32)

    def decode(off):
        sl = pl.ds(off, 16)
        dx = dbuf_v[0, sl]
        dy = dbuf_v[1, sl]
        dw = dbuf_v[2, sl]
        dh = dbuf_v[3, sl]
        gid = lane + (off + base)
        q9 = gid // 9
        at = gid - q9 * 9
        q450 = gid // 450
        col = q9 - q450 * 50
        aw = _table9(at, _AW)
        ah = _table9(at, _AH)
        cx = (col * 16 + 8).astype(_F32)
        cy = (q450 * 16 + 8).astype(_F32)
        pcx = dx * aw + cx
        pcy = dy * ah + cy
        pw = jnp.exp(dw) * aw
        ph = jnp.exp(dh) * ah
        x0 = jnp.minimum(jnp.maximum(pcx - 0.5 * pw, 0.0), 800.0)
        y0 = jnp.minimum(jnp.maximum(pcy - 0.5 * ph, 0.0), 800.0)
        x1 = jnp.minimum(jnp.maximum(pcx + 0.5 * pw, 0.0), 800.0)
        y1 = jnp.minimum(jnp.maximum(pcy + 0.5 * ph, 0.0), 800.0)
        kb = jnp.logical_and(jnp.logical_and(x1 - x0 >= 16.0,
                                             y1 - y0 >= 16.0),
                             gid < _N)
        ki = kb.astype(_I32)
        km = jnp.where(gid < 6000, ki, 0)
        return x0, y0, x1, y1, ki, km

    x0, y0, x1, y1, ki, km = decode(0)
    acc_n = ki
    acc_m = km

    @pl.when(sid == 0)
    def _():
        p01i_v[0, pl.ds(0, 16)] = plsc.bitcast(x0, _I32)
        p01i_v[1, pl.ds(0, 16)] = plsc.bitcast(y0, _I32)
        p01i_v[2, pl.ds(0, 16)] = plsc.bitcast(x1, _I32)
        p01i_v[3, pl.ds(0, 16)] = plsc.bitcast(y1, _I32)
        k0_v[pl.ds(0, 16)] = ki

    def loop_body(i, accs):
        an, am = accs
        _, _, _, _, ki, km = decode(i * 16)
        return an + ki, am + km

    acc_n, acc_m = lax.fori_loop(1, _VREGS, loop_body, (acc_n, acc_m))

    misc_v[pl.ds(0, 16)] = acc_n
    misc_v[pl.ds(16, 16)] = acc_m
    pltpu.sync_copy(misc_v, cnt_sh.at[sid])

    zf = jnp.zeros((16,), _F32)

    def zstore(i, _):
        zbuf_v[pl.ds(i * 16, 16)] = zf
        return 0

    lax.fori_loop(0, 27, zstore, 0)
    pltpu.sync_copy(zbuf_v, out_hbm.at[pl.ds((76 + 27 * sid) * 16, 432)])

    plsc.subcore_barrier()

    @pl.when(jnp.logical_and(sid == 0, cid == 0))
    def _final():
        pltpu.sync_copy(cnt_sh, cnt_all_v)
        pltpu.sync_copy(score, score_v.at[pl.ds(0, 8)])
        def sum_body(r, accs):
            an, am = accs
            return (an + cnt_all_v[r, pl.ds(0, 16)],
                    am + cnt_all_v[r, pl.ds(16, 16)])

        accn, accm = lax.fori_loop(
            1, 16, sum_body,
            (cnt_all_v[0, pl.ds(0, 16)], cnt_all_v[0, pl.ds(16, 16)]))
        n1 = plsc.cumsum(accn)[15]
        m1 = plsc.cumsum(accm)[15]
        k0 = k0_v[pl.ds(0, 16)][0]

        sv = score_v[pl.ds(0, 16)]
        svi = plsc.bitcast(sv, _I32)
        b_s0 = svi[0]
        b_s1 = svi[1]
        s0v = plsc.bitcast(zero_i + b_s0, _F32)
        s1v = plsc.bitcast(zero_i + b_s1, _F32)
        fenc = (s0v > s1v).astype(_I32) + (s0v < s1v).astype(_I32) * 2
        f = fenc[0]

        p01r = [p01i_v[r, pl.ds(0, 16)] for r in range(4)]
        b = [[p01r[r][t] for t in (0, 1)] for r in range(4)]
        x0b = [plsc.bitcast(zero_i + b[0][t], _F32) for t in (0, 1)]
        y0b = [plsc.bitcast(zero_i + b[1][t], _F32) for t in (0, 1)]
        x1b = [plsc.bitcast(zero_i + b[2][t], _F32) for t in (0, 1)]
        y1b = [plsc.bitcast(zero_i + b[3][t], _F32) for t in (0, 1)]
        area = [(x1b[t] - x0b[t]) * (y1b[t] - y0b[t]) for t in (0, 1)]
        sflag = [(area[t] / (((area[t] + area[t]) - area[t]) + 1e-9) > 0.7)
                 .astype(_I32) for t in (0, 1)]
        iw = jnp.maximum(jnp.minimum(x1b[0], x1b[1])
                         - jnp.maximum(x0b[0], x0b[1]), 0.0)
        ih = jnp.maximum(jnp.minimum(y1b[0], y1b[1])
                         - jnp.maximum(y0b[0], y0b[1]), 0.0)
        inter = iw * ih
        cflag = (inter / (((area[0] + area[1]) - inter) + 1e-9)
                 > 0.7).astype(_I32)
        sf0 = sflag[0][0]
        sf1 = sflag[1][0]
        cc = cflag[0]

        t1 = jnp.where(f == 1, 0, jnp.where(f == 2, 1, k0))
        g1 = jnp.where(
            f == 1, jnp.minimum(_N - n1, 6000),
            jnp.where(f == 2, jnp.minimum(n1, 6000),
                      jnp.where(k0 == 1, m1, 6000 - m1)))
        g2 = 6000 - g1
        st1 = jnp.where(t1 == 1, sf1, sf0)
        st2 = jnp.where(t1 == 1, sf0, sf1)
        n_a = jnp.where(st1 == 1, jnp.minimum(1, g1), jnp.minimum(g1, 300))
        nbraw = jnp.where(st2 == 1, jnp.minimum(1, g2), g2)
        cap2 = jnp.maximum(300 - n_a, 0)
        n_b = jnp.where(jnp.logical_and(cc == 1, n_a > 0), 0,
                        jnp.minimum(nbraw, cap2))
        n_ab = n_a + n_b

        m4 = lane & 3
        sel_t1 = [jnp.where(t1 == 1, b[r][1], b[r][0]) for r in range(4)]
        sel_t2 = [jnp.where(t1 == 1, b[r][0], b[r][1]) for r in range(4)]

        def pat(sel):
            vi = jnp.where(m4 == 0, sel[0],
                           jnp.where(m4 == 1, sel[1],
                                     jnp.where(m4 == 2, sel[2], sel[3])))
            return plsc.bitcast(vi, _F32)

        v1 = pat(sel_t1)
        v2 = pat(sel_t2)
        rowlane = lane >> 2

        def fill_body(i, _):
            ridx = rowlane + i * 4
            val = jnp.where(ridx < n_a, v1, jnp.where(ridx < n_ab, v2, zf))
            out_v[pl.ds(i * 16, 16)] = val
            return 0

        lax.fori_loop(0, 76, fill_body, 0)
        pltpu.sync_copy(out_v, out_hbm.at[pl.ds(0, 76 * 16)])


@jax.jit
def _proposal_sc(delta, score):
    mesh = plsc.VectorSubcoreMesh(core_axis_name="c", subcore_axis_name="s",
                                  num_cores=1)
    fn = pl.kernel(
        _sc_body,
        mesh=mesh,
        compiler_params=pltpu.CompilerParams(needs_layout_passes=False),
        out_type=jax.ShapeDtypeStruct((8128,), jnp.float32),
        scratch_types=[
            pltpu.VMEM((4, _PER_W), _F32),
            pltpu.VMEM((4, 16), _I32),
            pltpu.VMEM((16,), _I32),
            pltpu.VMEM((32,), _I32),
            pltpu.VMEM((16,), _F32),
            pltpu.VMEM((16, 32), _I32),
            pltpu.VMEM((76 * 16,), _F32),
            pltpu.VMEM((432,), _F32),
            pltpu.VMEM_SHARED((16, 32), _I32),
        ],
    )
    return fn(delta, score)


def kernel(delta, score):
    d = jnp.pad(delta[0].T, ((0, 0), (0, 16 * _PER_W - _N)))
    s = jnp.pad(score[0, :2, 1], (0, 6))
    return _proposal_sc(d, s)[:8000].reshape(1, 2000, 4)

# --- scband reference (transcript-rebuilt; emitter-appended) ---
"""Pipeline reference for scband-proposal-layer-91147795956371 (READ-ONLY COPY).

The authoritative reference and input builder live on the scoring server;
editing this copy changes nothing except your own understanding.
"""

import jax, jax.numpy as jnp
import numpy as np

BASE_SIZE = 16
ANCHOR_RATIO = [0.5, 1.0, 2.0]
ANCHOR_SCALE = [8.0, 16.0, 32.0]
FEAT_STRIDE = 16
MAP_SIZE = (50, 50)
IMG_SIZE = (800.0, 800.0)
SCALE = 1.0
PRE_NMS_N = 6000
POST_NMS_N_SELECT = 300
POST_NMS_PAD = 2000
RPN_MIN_SIZE = 16.0
NMS_THRESH = 0.7
N_TOTAL = MAP_SIZE[0] * MAP_SIZE[1] * 9

def _mkanchors(ws, hs, x_ctr, y_ctr):
    ws = np.asarray(ws, dtype=np.float64).reshape(-1, 1)
    hs = np.asarray(hs, dtype=np.float64).reshape(-1, 1)
    return np.hstack([x_ctr - 0.5 * (ws - 1), y_ctr - 0.5 * (hs - 1), x_ctr + 0.5 * (ws - 1), y_ctr + 0.5 * (hs - 1)])

def generate_anchors(base_size, ratios, scales):
    base = np.array([1.0, 1.0, float(base_size), float(base_size)]) - 1.0
    w = base[2] - base[0] + 1.0
    h = base[3] - base[1] + 1.0
    x_ctr = base[0] + 0.5 * (w - 1.0)
    y_ctr = base[1] + 0.5 * (h - 1.0)
    size = w * h
    ratios = np.asarray(ratios, dtype=np.float64)
    ws = np.round(np.sqrt(size / ratios))
    hs = np.round(ws * ratios)
    ratio_anchors = _mkanchors(ws, hs, x_ctr, y_ctr)
    scales = np.asarray(scales, dtype=np.float64)
    out = []
    for i in range(ratio_anchors.shape[0]):
        a = ratio_anchors[i]
        aw = a[2] - a[0] + 1.0
        ah = a[3] - a[1] + 1.0
        axc = a[0] + 0.5 * (aw - 1.0)
        ayc = a[1] + 0.5 * (ah - 1.0)
        out.append(_mkanchors(aw * scales, ah * scales, axc, ayc))
    return np.vstack(out).astype(np.float32)

def shift(anchors, stride, map_size):
    h, w = map_size
    sx = np.arange(w) * stride
    sy = np.arange(h) * stride
    sxg, syg = np.meshgrid(sx, sy)
    shifts = np.stack([sxg.ravel(), syg.ravel(), sxg.ravel(), syg.ravel()], axis=1).astype(np.float32)
    return (anchors[None, :, :] + shifts[:, None, :]).reshape(-1, 4)

ALL_ANCHORS = jnp.asarray(shift(generate_anchors(BASE_SIZE, ANCHOR_RATIO, ANCHOR_SCALE), FEAT_STRIDE, MAP_SIZE))

def bbox_transform_inv(boxes, deltas):
    widths = boxes[:, 2] - boxes[:, 0] + 1.0
    heights = boxes[:, 3] - boxes[:, 1] + 1.0
    ctr_x = boxes[:, 0] + 0.5 * widths
    ctr_y = boxes[:, 1] + 0.5 * heights
    dx, dy, dw, dh = deltas[:, 0], deltas[:, 1], deltas[:, 2], deltas[:, 3]
    pcx = dx * widths + ctr_x
    pcy = dy * heights + ctr_y
    pw = jnp.exp(dw) * widths
    ph = jnp.exp(dh) * heights
    return jnp.stack([pcx - 0.5 * pw, pcy - 0.5 * ph, pcx + 0.5 * pw, pcy + 0.5 * ph], axis=1)

def _nms_fixed(boxes, max_out, thresh):
    areas = (boxes[:, 2] - boxes[:, 0]) * (boxes[:, 3] - boxes[:, 1])
    def step(suppressed, _):
        avail = jnp.logical_not(suppressed)
        idx = jnp.argmax(avail)
        valid = avail[idx]
        b = boxes[idx]
        ix0 = jnp.maximum(boxes[:, 0], b[0])
        iy0 = jnp.maximum(boxes[:, 1], b[1])
        ix1 = jnp.minimum(boxes[:, 2], b[2])
        iy1 = jnp.minimum(boxes[:, 3], b[3])
        inter = jnp.maximum(ix1 - ix0, 0.0) * jnp.maximum(iy1 - iy0, 0.0)
        iou = inter / (areas + areas[idx] - inter + 1e-9)
        new_sup = jnp.where(valid, jnp.logical_or(suppressed, iou > thresh), suppressed)
        new_sup = new_sup.at[idx].set(True)
        return new_sup, jnp.where(valid, idx, -1)
    _, sel = jax.lax.scan(step, jnp.zeros(boxes.shape[0], dtype=bool), None, length=max_out)
    return sel

def _forward(delta, score):
    s = score[0, :, 1]
    proposals = bbox_transform_inv(ALL_ANCHORS, delta[0])
    xlim = IMG_SIZE[0] * SCALE
    ylim = IMG_SIZE[1] * SCALE
    x0 = jnp.clip(proposals[:, 0], 0.0, xlim)
    y0 = jnp.clip(proposals[:, 1], 0.0, ylim)
    x1 = jnp.clip(proposals[:, 2], 0.0, xlim)
    y1 = jnp.clip(proposals[:, 3], 0.0, ylim)
    proposals = jnp.stack([x0, y0, x1, y1], axis=1)
    w = proposals[:, 2] - proposals[:, 0]
    h = proposals[:, 3] - proposals[:, 1]
    # NOTE: faithful to the original code, which casts the boolean mask to int32
    # and uses it directly as gather indices (values 0/1).
    keep = jnp.logical_and(w >= RPN_MIN_SIZE, h >= RPN_MIN_SIZE).astype(jnp.int32)
    proposals = jnp.take(proposals, keep, axis=0)
    s = jnp.take(s, keep, axis=0)
    s_top, keep_idx = jax.lax.top_k(s, PRE_NMS_N)
    proposals = jnp.take(proposals, keep_idx, axis=0)
    sel = _nms_fixed(proposals, POST_NMS_N_SELECT, NMS_THRESH)
    valid = sel >= 0
    props = jnp.where(valid[:, None], jnp.take(proposals, jnp.maximum(sel, 0), axis=0), 0.0)
    props = jnp.pad(props, ((0, POST_NMS_PAD - POST_NMS_N_SELECT), (0, 0)))
    return props[None]

def setup_inputs(seed: int = 0):
    key = jax.random.key(seed)
    k1, k2 = jax.random.split(key)
    delta = jax.random.normal(k1, (1, N_TOTAL, 4), dtype=jnp.float32)
    score = jax.random.uniform(k2, (1, N_TOTAL, 2), dtype=jnp.float32)
    return {'delta': delta, 'score': score}

def reference(delta, score):
    return _forward(delta, score)

if __name__ == "__main__":
    import jax
    _d = setup_inputs()
    print(jax.jit(kernel)(*tuple(_d.values())))

</pallas_src>

<mosaic_0001>
#map = affine_map<(d0, d1) -> (0, 0)>
#map1 = affine_map<(d0, d1) -> (0)>
module attributes {stable_mosaic.version = 14 : i64} {
  func.func @_sc_body(%arg0: i32, %arg1: i32, %arg2: memref<4x22528xf32, #tpu.memory_space<hbm>>, %arg3: memref<8xf32, #tpu.memory_space<hbm>>, %arg4: memref<8128xf32, #tpu.memory_space<hbm>>, %arg5: memref<4x1408xf32, #tpu.memory_space<vmem>>, %arg6: memref<4x16xi32, #tpu.memory_space<vmem>>, %arg7: memref<16xi32, #tpu.memory_space<vmem>>, %arg8: memref<32xi32, #tpu.memory_space<vmem>>, %arg9: memref<16xf32, #tpu.memory_space<vmem>>, %arg10: memref<16x32xi32, #tpu.memory_space<vmem>>, %arg11: memref<1216xf32, #tpu.memory_space<vmem>>, %arg12: memref<432xf32, #tpu.memory_space<vmem>>, %arg13: memref<16x32xi32, #tpu.memory_space<vmem_shared>>) attributes {dimension_semantics = [#tpu.dimension_semantics<core_parallel>, #tpu.dimension_semantics<subcore_parallel>], iteration_bounds = array<i64: 1, 16>, scalar_prefetch = 0 : i64, scratch_operands = 9 : i64, tpu.core_type = #tpu.core_type<sc_vector_subcore>, window_params = [{transform_indices = #map}, {transform_indices = #map1}, {transform_indices = #map1}]} {
    %mul3A = arith.constant 1408 : i32
    %mul3A_0 = arith.muli %arg1, %mul3A : i32
    %run_scoped3A = arith.constant 0 : i32
    %run_scoped3A_1 = arith.constant 0 : i32
    "tpu.region"() ({
      %run_scoped3A_299 = tpu.sem_alloc : memref<!tpu.dma_semaphore, #tpu.memory_space<semaphore_mem>>
      %dma_start3A = arith.constant 0 : i32
      %dma_start3A_300 = tpu.memref_slice %arg5[%run_scoped3A_1, %dma_start3A] : memref<4x1408xf32, #tpu.memory_space<vmem>> -> memref<1x1408xf32, #tpu.memory_space<vmem>>
      %dma_start3A_301 = tpu.memref_squeeze %dma_start3A_300 : memref<1x1408xf32, #tpu.memory_space<vmem>> -> memref<1408xf32, #tpu.memory_space<vmem>>
      %dma_start3A_302 = tpu.memref_slice %arg2[%run_scoped3A, %mul3A_0] : memref<4x22528xf32, #tpu.memory_space<hbm>> -> memref<1x1408xf32, #tpu.memory_space<hbm>>
      %dma_start3A_303 = tpu.memref_squeeze %dma_start3A_302 : memref<1x1408xf32, #tpu.memory_space<hbm>> -> memref<1408xf32, #tpu.memory_space<hbm>>
      %dma_start3A_304 = arith.constant 0 : i32
      %dma_start3A_305 = tpu.memref_slice %arg5[%run_scoped3A_1, %dma_start3A_304] : memref<4x1408xf32, #tpu.memory_space<vmem>> -> memref<1x1408xf32, #tpu.memory_space<vmem>>
      %dma_start3A_306 = tpu.memref_squeeze %dma_start3A_305 : memref<1x1408xf32, #tpu.memory_space<vmem>> -> memref<1408xf32, #tpu.memory_space<vmem>>
      %dma_start3A_307 = tpu.memref_slice %arg2[%run_scoped3A, %mul3A_0] : memref<4x22528xf32, #tpu.memory_space<hbm>> -> memref<1x1408xf32, #tpu.memory_space<hbm>>
      %dma_start3A_308 = tpu.memref_squeeze %dma_start3A_307 : memref<1x1408xf32, #tpu.memory_space<hbm>> -> memref<1408xf32, #tpu.memory_space<hbm>>
      tpu.enqueue_dma source(%dma_start3A_308 : memref<1408xf32, #tpu.memory_space<hbm>>) target(%dma_start3A_306 : memref<1408xf32, #tpu.memory_space<vmem>>) target_semaphore(%run_scoped3A_299 : memref<!tpu.dma_semaphore, #tpu.memory_space<semaphore_mem>>)
      %dma_wait3A = arith.constant 0 : i32
      %dma_wait3A_309 = tpu.memref_slice %arg5[%run_scoped3A_1, %dma_wait3A] : memref<4x1408xf32, #tpu.memory_space<vmem>> -> memref<1x1408xf32, #tpu.memory_space<vmem>>
      %dma_wait3A_310 = tpu.memref_squeeze %dma_wait3A_309 : memref<1x1408xf32, #tpu.memory_space<vmem>> -> memref<1408xf32, #tpu.memory_space<vmem>>
      %dma_wait3A_311 = tpu.memref_slice %arg2[%run_scoped3A, %mul3A_0] : memref<4x22528xf32, #tpu.memory_space<hbm>> -> memref<1x1408xf32, #tpu.memory_space<hbm>>
      %dma_wait3A_312 = tpu.memref_squeeze %dma_wait3A_311 : memref<1x1408xf32, #tpu.memory_space<hbm>> -> memref<1408xf32, #tpu.memory_space<hbm>>
      %dma_wait3A_313 = arith.constant 0 : i32
      %dma_wait3A_314 = tpu.memref_slice %arg5[%run_scoped3A_1, %dma_wait3A_313] : memref<4x1408xf32, #tpu.memory_space<vmem>> -> memref<1x1408xf32, #tpu.memory_space<vmem>>
      %dma_wait3A_315 = tpu.memref_squeeze %dma_wait3A_314 : memref<1x1408xf32, #tpu.memory_space<vmem>> -> memref<1408xf32, #tpu.memory_space<vmem>>
      %dma_wait3A_316 = tpu.memref_slice %arg2[%run_scoped3A, %mul3A_0] : memref<4x22528xf32, #tpu.memory_space<hbm>> -> memref<1x1408xf32, #tpu.memory_space<hbm>>
      %dma_wait3A_317 = tpu.memref_squeeze %dma_wait3A_316 : memref<1x1408xf32, #tpu.memory_space<hbm>> -> memref<1408xf32, #tpu.memory_space<hbm>>
      tpu.wait_dma2 semaphore(%run_scoped3A_299 : memref<!tpu.dma_semaphore, #tpu.memory_space<semaphore_mem>>) src(%dma_wait3A_317 : memref<1408xf32, #tpu.memory_space<hbm>>) dst(%dma_wait3A_315 : memref<1408xf32, #tpu.memory_space<vmem>>)
      tpu.yield
    }) : () -> ()
    %run_scoped3A_2 = arith.constant 1 : i32
    %run_scoped3A_3 = arith.constant 1 : i32
    "tpu.region"() ({
      %run_scoped3A_299 = tpu.sem_alloc : memref<!tpu.dma_semaphore, #tpu.memory_space<semaphore_mem>>
      %dma_start3A = arith.constant 0 : i32
      %dma_start3A_300 = tpu.memref_slice %arg5[%run_scoped3A_3, %dma_start3A] : memref<4x1408xf32, #tpu.memory_space<vmem>> -> memref<1x1408xf32, #tpu.memory_space<vmem>>
      %dma_start3A_301 = tpu.memref_squeeze %dma_start3A_300 : memref<1x1408xf32, #tpu.memory_space<vmem>> -> memref<1408xf32, #tpu.memory_space<vmem>>
      %dma_start3A_302 = tpu.memref_slice %arg2[%run_scoped3A_2, %mul3A_0] : memref<4x22528xf32, #tpu.memory_space<hbm>> -> memref<1x1408xf32, #tpu.memory_space<hbm>>
      %dma_start3A_303 = tpu.memref_squeeze %dma_start3A_302 : memref<1x1408xf32, #tpu.memory_space<hbm>> -> memref<1408xf32, #tpu.memory_space<hbm>>
      %dma_start3A_304 = arith.constant 0 : i32
      %dma_start3A_305 = tpu.memref_slice %arg5[%run_scoped3A_3, %dma_start3A_304] : memref<4x1408xf32, #tpu.memory_space<vmem>> -> memref<1x1408xf32, #tpu.memory_space<vmem>>
      %dma_start3A_306 = tpu.memref_squeeze %dma_start3A_305 : memref<1x1408xf32, #tpu.memory_space<vmem>> -> memref<1408xf32, #tpu.memory_space<vmem>>
      %dma_start3A_307 = tpu.memref_slice %arg2[%run_scoped3A_2, %mul3A_0] : memref<4x22528xf32, #tpu.memory_space<hbm>> -> memref<1x1408xf32, #tpu.memory_space<hbm>>
      %dma_start3A_308 = tpu.memref_squeeze %dma_start3A_307 : memref<1x1408xf32, #tpu.memory_space<hbm>> -> memref<1408xf32, #tpu.memory_space<hbm>>
      tpu.enqueue_dma source(%dma_start3A_308 : memref<1408xf32, #tpu.memory_space<hbm>>) target(%dma_start3A_306 : memref<1408xf32, #tpu.memory_space<vmem>>) target_semaphore(%run_scoped3A_299 : memref<!tpu.dma_semaphore, #tpu.memory_space<semaphore_mem>>)
      %dma_wait3A = arith.constant 0 : i32
      %dma_wait3A_309 = tpu.memref_slice %arg5[%run_scoped3A_3, %dma_wait3A] : memref<4x1408xf32, #tpu.memory_space<vmem>> -> memref<1x1408xf32, #tpu.memory_space<vmem>>
      %dma_wait3A_310 = tpu.memref_squeeze %dma_wait3A_309 : memref<1x1408xf32, #tpu.memory_space<vmem>> -> memref<1408xf32, #tpu.memory_space<vmem>>
      %dma_wait3A_311 = tpu.memref_slice %arg2[%run_scoped3A_2, %mul3A_0] : memref<4x22528xf32, #tpu.memory_space<hbm>> -> memref<1x1408xf32, #tpu.memory_space<hbm>>
      %dma_wait3A_312 = tpu.memref_squeeze %dma_wait3A_311 : memref<1x1408xf32, #tpu.memory_space<hbm>> -> memref<1408xf32, #tpu.memory_space<hbm>>
      %dma_wait3A_313 = arith.constant 0 : i32
      %dma_wait3A_314 = tpu.memref_slice %arg5[%run_scoped3A_3, %dma_wait3A_313] : memref<4x1408xf32, #tpu.memory_space<vmem>> -> memref<1x1408xf32, #tpu.memory_space<vmem>>
      %dma_wait3A_315 = tpu.memref_squeeze %dma_wait3A_314 : memref<1x1408xf32, #tpu.memory_space<vmem>> -> memref<1408xf32, #tpu.memory_space<vmem>>
      %dma_wait3A_316 = tpu.memref_slice %arg2[%run_scoped3A_2, %mul3A_0] : memref<4x22528xf32, #tpu.memory_space<hbm>> -> memref<1x1408xf32, #tpu.memory_space<hbm>>
      %dma_wait3A_317 = tpu.memref_squeeze %dma_wait3A_316 : memref<1x1408xf32, #tpu.memory_space<hbm>> -> memref<1408xf32, #tpu.memory_space<hbm>>
      tpu.wait_dma2 semaphore(%run_scoped3A_299 : memref<!tpu.dma_semaphore, #tpu.memory_space<semaphore_mem>>) src(%dma_wait3A_317 : memref<1408xf32, #tpu.memory_space<hbm>>) dst(%dma_wait3A_315 : memref<1408xf32, #tpu.memory_space<vmem>>)
      tpu.yield
    }) : () -> ()
    %run_scoped3A_4 = arith.constant 2 : i32
    %run_scoped3A_5 = arith.constant 2 : i32
    "tpu.region"() ({
      %run_scoped3A_299 = tpu.sem_alloc : memref<!tpu.dma_semaphore, #tpu.memory_space<semaphore_mem>>
      %dma_start3A = arith.constant 0 : i32
      %dma_start3A_300 = tpu.memref_slice %arg5[%run_scoped3A_5, %dma_start3A] : memref<4x1408xf32, #tpu.memory_space<vmem>> -> memref<1x1408xf32, #tpu.memory_space<vmem>>
      %dma_start3A_301 = tpu.memref_squeeze %dma_start3A_300 : memref<1x1408xf32, #tpu.memory_space<vmem>> -> memref<1408xf32, #tpu.memory_space<vmem>>
      %dma_start3A_302 = tpu.memref_slice %arg2[%run_scoped3A_4, %mul3A_0] : memref<4x22528xf32, #tpu.memory_space<hbm>> -> memref<1x1408xf32, #tpu.memory_space<hbm>>
      %dma_start3A_303 = tpu.memref_squeeze %dma_start3A_302 : memref<1x1408xf32, #tpu.memory_space<hbm>> -> memref<1408xf32, #tpu.memory_space<hbm>>
      %dma_start3A_304 = arith.constant 0 : i32
      %dma_start3A_305 = tpu.memref_slice %arg5[%run_scoped3A_5, %dma_start3A_304] : memref<4x1408xf32, #tpu.memory_space<vmem>> -> memref<1x1408xf32, #tpu.memory_space<vmem>>
      %dma_start3A_306 = tpu.memref_squeeze %dma_start3A_305 : memref<1x1408xf32, #tpu.memory_space<vmem>> -> memref<1408xf32, #tpu.memory_space<vmem>>
      %dma_start3A_307 = tpu.memref_slice %arg2[%run_scoped3A_4, %mul3A_0] : memref<4x22528xf32, #tpu.memory_space<hbm>> -> memref<1x1408xf32, #tpu.memory_space<hbm>>
      %dma_start3A_308 = tpu.memref_squeeze %dma_start3A_307 : memref<1x1408xf32, #tpu.memory_space<hbm>> -> memref<1408xf32, #tpu.memory_space<hbm>>
      tpu.enqueue_dma source(%dma_start3A_308 : memref<1408xf32, #tpu.memory_space<hbm>>) target(%dma_start3A_306 : memref<1408xf32, #tpu.memory_space<vmem>>) target_semaphore(%run_scoped3A_299 : memref<!tpu.dma_semaphore, #tpu.memory_space<semaphore_mem>>)
      %dma_wait3A = arith.constant 0 : i32
      %dma_wait3A_309 = tpu.memref_slice %arg5[%run_scoped3A_5, %dma_wait3A] : memref<4x1408xf32, #tpu.memory_space<vmem>> -> memref<1x1408xf32, #tpu.memory_space<vmem>>
      %dma_wait3A_310 = tpu.memref_squeeze %dma_wait3A_309 : memref<1x1408xf32, #tpu.memory_space<vmem>> -> memref<1408xf32, #tpu.memory_space<vmem>>
      %dma_wait3A_311 = tpu.memref_slice %arg2[%run_scoped3A_4, %mul3A_0] : memref<4x22528xf32, #tpu.memory_space<hbm>> -> memref<1x1408xf32, #tpu.memory_space<hbm>>
      %dma_wait3A_312 = tpu.memref_squeeze %dma_wait3A_311 : memref<1x1408xf32, #tpu.memory_space<hbm>> -> memref<1408xf32, #tpu.memory_space<hbm>>
      %dma_wait3A_313 = arith.constant 0 : i32
      %dma_wait3A_314 = tpu.memref_slice %arg5[%run_scoped3A_5, %dma_wait3A_313] : memref<4x1408xf32, #tpu.memory_space<vmem>> -> memref<1x1408xf32, #tpu.memory_space<vmem>>
      %dma_wait3A_315 = tpu.memref_squeeze %dma_wait3A_314 : memref<1x1408xf32, #tpu.memory_space<vmem>> -> memref<1408xf32, #tpu.memory_space<vmem>>
      %dma_wait3A_316 = tpu.memref_slice %arg2[%run_scoped3A_4, %mul3A_0] : memref<4x22528xf32, #tpu.memory_space<hbm>> -> memref<1x1408xf32, #tpu.memory_space<hbm>>
      %dma_wait3A_317 = tpu.memref_squeeze %dma_wait3A_316 : memref<1x1408xf32, #tpu.memory_space<hbm>> -> memref<1408xf32, #tpu.memory_space<hbm>>
      tpu.wait_dma2 semaphore(%run_scoped3A_299 : memref<!tpu.dma_semaphore, #tpu.memory_space<semaphore_mem>>) src(%dma_wait3A_317 : memref<1408xf32, #tpu.memory_space<hbm>>) dst(%dma_wait3A_315 : memref<1408xf32, #tpu.memory_space<vmem>>)
      tpu.yield
    }) : () -> ()
    %run_scoped3A_6 = arith.constant 3 : i32
    %run_scoped3A_7 = arith.constant 3 : i32
    "tpu.region"() ({
      %run_scoped3A_299 = tpu.sem_alloc : memref<!tpu.dma_semaphore, #tpu.memory_space<semaphore_mem>>
      %dma_start3A = arith.constant 0 : i32
      %dma_start3A_300 = tpu.memref_slice %arg5[%run_scoped3A_7, %dma_start3A] : memref<4x1408xf32, #tpu.memory_space<vmem>> -> memref<1x1408xf32, #tpu.memory_space<vmem>>
      %dma_start3A_301 = tpu.memref_squeeze %dma_start3A_300 : memref<1x1408xf32, #tpu.memory_space<vmem>> -> memref<1408xf32, #tpu.memory_space<vmem>>
      %dma_start3A_302 = tpu.memref_slice %arg2[%run_scoped3A_6, %mul3A_0] : memref<4x22528xf32, #tpu.memory_space<hbm>> -> memref<1x1408xf32, #tpu.memory_space<hbm>>
      %dma_start3A_303 = tpu.memref_squeeze %dma_start3A_302 : memref<1x1408xf32, #tpu.memory_space<hbm>> -> memref<1408xf32, #tpu.memory_space<hbm>>
      %dma_start3A_304 = arith.constant 0 : i32
      %dma_start3A_305 = tpu.memref_slice %arg5[%run_scoped3A_7, %dma_start3A_304] : memref<4x1408xf32, #tpu.memory_space<vmem>> -> memref<1x1408xf32, #tpu.memory_space<vmem>>
      %dma_start3A_306 = tpu.memref_squeeze %dma_start3A_305 : memref<1x1408xf32, #tpu.memory_space<vmem>> -> memref<1408xf32, #tpu.memory_space<vmem>>
      %dma_start3A_307 = tpu.memref_slice %arg2[%run_scoped3A_6, %mul3A_0] : memref<4x22528xf32, #tpu.memory_space<hbm>> -> memref<1x1408xf32, #tpu.memory_space<hbm>>
      %dma_start3A_308 = tpu.memref_squeeze %dma_start3A_307 : memref<1x1408xf32, #tpu.memory_space<hbm>> -> memref<1408xf32, #tpu.memory_space<hbm>>
      tpu.enqueue_dma source(%dma_start3A_308 : memref<1408xf32, #tpu.memory_space<hbm>>) target(%dma_start3A_306 : memref<1408xf32, #tpu.memory_space<vmem>>) target_semaphore(%run_scoped3A_299 : memref<!tpu.dma_semaphore, #tpu.memory_space<semaphore_mem>>)
      %dma_wait3A = arith.constant 0 : i32
      %dma_wait3A_309 = tpu.memref_slice %arg5[%run_scoped3A_7, %dma_wait3A] : memref<4x1408xf32, #tpu.memory_space<vmem>> -> memref<1x1408xf32, #tpu.memory_space<vmem>>
      %dma_wait3A_310 = tpu.memref_squeeze %dma_wait3A_309 : memref<1x1408xf32, #tpu.memory_space<vmem>> -> memref<1408xf32, #tpu.memory_space<vmem>>
      %dma_wait3A_311 = tpu.memref_slice %arg2[%run_scoped3A_6, %mul3A_0] : memref<4x22528xf32, #tpu.memory_space<hbm>> -> memref<1x1408xf32, #tpu.memory_space<hbm>>
      %dma_wait3A_312 = tpu.memref_squeeze %dma_wait3A_311 : memref<1x1408xf32, #tpu.memory_space<hbm>> -> memref<1408xf32, #tpu.memory_space<hbm>>
      %dma_wait3A_313 = arith.constant 0 : i32
      %dma_wait3A_314 = tpu.memref_slice %arg5[%run_scoped3A_7, %dma_wait3A_313] : memref<4x1408xf32, #tpu.memory_space<vmem>> -> memref<1x1408xf32, #tpu.memory_space<vmem>>
      %dma_wait3A_315 = tpu.memref_squeeze %dma_wait3A_314 : memref<1x1408xf32, #tpu.memory_space<vmem>> -> memref<1408xf32, #tpu.memory_space<vmem>>
      %dma_wait3A_316 = tpu.memref_slice %arg2[%run_scoped3A_6, %mul3A_0] : memref<4x22528xf32, #tpu.memory_space<hbm>> -> memref<1x1408xf32, #tpu.memory_space<hbm>>
      %dma_wait3A_317 = tpu.memref_squeeze %dma_wait3A_316 : memref<1x1408xf32, #tpu.memory_space<hbm>> -> memref<1408xf32, #tpu.memory_space<hbm>>
      tpu.wait_dma2 semaphore(%run_scoped3A_299 : memref<!tpu.dma_semaphore, #tpu.memory_space<semaphore_mem>>) src(%dma_wait3A_317 : memref<1408xf32, #tpu.memory_space<hbm>>) dst(%dma_wait3A_315 : memref<1408xf32, #tpu.memory_space<vmem>>)
      tpu.yield
    }) : () -> ()
    %iota3A = tpu.iota {dimensions = array<i32: 0>} : vector<16xi32>
    %broadcast_in_dim3A = arith.constant 0 : i32
    %broadcast_in_dim3A_8 = vector.broadcast %broadcast_in_dim3A : i32 to vector<16xi32>
    %get3A = arith.constant 0 : i32
    %get3A_9 = arith.index_cast %get3A : i32 to index
    %get3A_10 = arith.constant 0 : index
    %get3A_11 = tpu.vector_load %arg5[%get3A_9, %get3A_10] {strides = array<i32>} : memref<4x1408xf32, #tpu.memory_space<vmem>>, vector<16xf32>,
    %get3A_12 = arith.constant 1 : i32
    %get3A_13 = arith.index_cast %get3A_12 : i32 to index
    %get3A_14 = arith.constant 0 : index
    %get3A_15 = tpu.vector_load %arg5[%get3A_13, %get3A_14] {strides = array<i32>} : memref<4x1408xf32, #tpu.memory_space<vmem>>, vector<16xf32>,
    %get3A_16 = arith.constant 2 : i32
    %get3A_17 = arith.index_cast %get3A_16 : i32 to index
    %get3A_18 = arith.constant 0 : index
    %get3A_19 = tpu.vector_load %arg5[%get3A_17, %get3A_18] {strides = array<i32>} : memref<4x1408xf32, #tpu.memory_space<vmem>>, vector<16xf32>,
    %get3A_20 = arith.constant 3 : i32
    %get3A_21 = arith.index_cast %get3A_20 : i32 to index
    %get3A_22 = arith.constant 0 : index
    %get3A_23 = tpu.vector_load %arg5[%get3A_21, %get3A_22] {strides = array<i32>} : memref<4x1408xf32, #tpu.memory_space<vmem>>, vector<16xf32>,
    %add3A = arith.constant 0 : i32
    %add3A_24 = arith.addi %add3A, %mul3A_0 : i32
    %add3A_25 = vector.broadcast %add3A_24 : i32 to vector<16xi32>
    %add3A_26 = arith.addi %iota3A, %add3A_25 : vector<16xi32>
    %jit3A = arith.constant 9 : i32
    %div3A = vector.broadcast %jit3A : i32 to vector<16xi32>
    %div3A_27 = arith.divsi %add3A_26, %div3A : vector<16xi32>
    %sign3A = arith.constant 0 : i32
    %sign3A_28 = vector.broadcast %sign3A : i32 to vector<16xi32>
    %sign3A_29 = arith.cmpi sgt, %add3A_26, %sign3A_28 : vector<16xi32>
    %sign3A_30 = arith.extui %sign3A_29 : vector<16xi1> to vector<16xi32>
    %sign3A_31 = arith.constant 0 : i32
    %sign3A_32 = vector.broadcast %sign3A_31 : i32 to vector<16xi32>
    %sign3A_33 = arith.cmpi slt, %add3A_26, %sign3A_32 : vector<16xi32>
    %sign3A_34 = arith.extui %sign3A_33 : vector<16xi1> to vector<16xi32>
    %sign3A_35 = arith.subi %sign3A_30, %sign3A_34 : vector<16xi32>
    %sign3A_36 = arith.constant 0 : i32
    %sign3A_37 = arith.cmpi sgt, %jit3A, %sign3A_36 : i32
    %sign3A_38 = arith.extui %sign3A_37 : i1 to i32
    %sign3A_39 = arith.constant 0 : i32
    %sign3A_40 = arith.cmpi slt, %jit3A, %sign3A_39 : i32
    %sign3A_41 = arith.extui %sign3A_40 : i1 to i32
    %sign3A_42 = arith.subi %sign3A_38, %sign3A_41 : i32
    %ne3A = vector.broadcast %sign3A_42 : i32 to vector<16xi32>
    %ne3A_43 = arith.cmpi ne, %sign3A_35, %ne3A : vector<16xi32>
    %rem3A = vector.broadcast %jit3A : i32 to vector<16xi32>
    %rem3A_44 = arith.remsi %add3A_26, %rem3A : vector<16xi32>
    %ne3A_45 = arith.constant 0 : i32
    %ne3A_46 = vector.broadcast %ne3A_45 : i32 to vector<16xi32>
    %ne3A_47 = arith.cmpi ne, %rem3A_44, %ne3A_46 : vector<16xi32>
    %and3A = arith.andi %ne3A_43, %ne3A_47 : vector<16xi1>
    %sub3A = arith.constant 1 : i32
    %sub3A_48 = vector.broadcast %sub3A : i32 to vector<16xi32>
    %sub3A_49 = arith.subi %div3A_27, %sub3A_48 : vector<16xi32>
    %select_n3A = arith.select %and3A, %sub3A_49, %div3A_27 : vector<16xi1>, vector<16xi32>
    %mul3A_50 = arith.constant 9 : i32
    %mul3A_51 = vector.broadcast %mul3A_50 : i32 to vector<16xi32>
    %mul3A_52 = arith.muli %select_n3A, %mul3A_51 : vector<16xi32>
    %sub3A_53 = arith.subi %add3A_26, %mul3A_52 : vector<16xi32>
    %jit3A_54 = arith.constant 450 : i32
    %div3A_55 = vector.broadcast %jit3A_54 : i32 to vector<16xi32>
    %div3A_56 = arith.divsi %add3A_26, %div3A_55 : vector<16xi32>
    %sign3A_57 = arith.constant 0 : i32
    %sign3A_58 = vector.broadcast %sign3A_57 : i32 to vector<16xi32>
    %sign3A_59 = arith.cmpi sgt, %add3A_26, %sign3A_58 : vector<16xi32>
    %sign3A_60 = arith.extui %sign3A_59 : vector<16xi1> to vector<16xi32>
    %sign3A_61 = arith.constant 0 : i32
    %sign3A_62 = vector.broadcast %sign3A_61 : i32 to vector<16xi32>
    %sign3A_63 = arith.cmpi slt, %add3A_26, %sign3A_62 : vector<16xi32>
    %sign3A_64 = arith.extui %sign3A_63 : vector<16xi1> to vector<16xi32>
    %sign3A_65 = arith.subi %sign3A_60, %sign3A_64 : vector<16xi32>
    %sign3A_66 = arith.constant 0 : i32
    %sign3A_67 = arith.cmpi sgt, %jit3A_54, %sign3A_66 : i32
    %sign3A_68 = arith.extui %sign3A_67 : i1 to i32
    %sign3A_69 = arith.constant 0 : i32
    %sign3A_70 = arith.cmpi slt, %jit3A_54, %sign3A_69 : i32
    %sign3A_71 = arith.extui %sign3A_70 : i1 to i32
    %sign3A_72 = arith.subi %sign3A_68, %sign3A_71 : i32
    %ne3A_73 = vector.broadcast %sign3A_72 : i32 to vector<16xi32>
    %ne3A_74 = arith.cmpi ne, %sign3A_65, %ne3A_73 : vector<16xi32>
    %rem3A_75 = vector.broadcast %jit3A_54 : i32 to vector<16xi32>
    %rem3A_76 = arith.remsi %add3A_26, %rem3A_75 : vector<16xi32>
    %ne3A_77 = arith.constant 0 : i32
    %ne3A_78 = vector.broadcast %ne3A_77 : i32 to vector<16xi32>
    %ne3A_79 = arith.cmpi ne, %rem3A_76, %ne3A_78 : vector<16xi32>
    %and3A_80 = arith.andi %ne3A_74, %ne3A_79 : vector<16xi1>
    %sub3A_81 = arith.constant 1 : i32
    %sub3A_82 = vector.broadcast %sub3A_81 : i32 to vector<16xi32>
    %sub3A_83 = arith.subi %div3A_56, %sub3A_82 : vector<16xi32>
    %select_n3A_84 = arith.select %and3A_80, %sub3A_83, %div3A_56 : vector<16xi1>, vector<16xi32>
    %mul3A_85 = arith.constant 50 : i32
    %mul3A_86 = vector.broadcast %mul3A_85 : i32 to vector<16xi32>
    %mul3A_87 = arith.muli %select_n3A_84, %mul3A_86 : vector<16xi32>
    %sub3A_88 = arith.subi %select_n3A, %mul3A_87 : vector<16xi32>
    %broadcast_in_dim3A_89 = arith.constant 3.520000e+02 : f32
    %broadcast_in_dim3A_90 = vector.broadcast %broadcast_in_dim3A_89 : f32 to vector<16xf32>
    %eq3A = arith.constant 7 : i32
    %eq3A_91 = vector.broadcast %eq3A : i32 to vector<16xi32>
    %eq3A_92 = arith.cmpi eq, %sub3A_53, %eq3A_91 : vector<16xi32>
    %jit3A_93 = arith.constant 1.760000e+02 : f32
    %broadcast_in_dim3A_94 = vector.broadcast %jit3A_93 : f32 to vector<16xf32>
    %select_n3A_95 = arith.select %eq3A_92, %broadcast_in_dim3A_94, %broadcast_in_dim3A_90 : vector<16xi1>, vector<16xf32>
    %eq3A_96 = arith.constant 6 : i32
    %eq3A_97 = vector.broadcast %eq3A_96 : i32 to vector<16xi32>
    %eq3A_98 = arith.cmpi eq, %sub3A_53, %eq3A_97 : vector<16xi32>
    %jit3A_99 = arith.constant 8.800000e+01 : f32
    %broadcast_in_dim3A_100 = vector.broadcast %jit3A_99 : f32 to vector<16xf32>
    %select_n3A_101 = arith.select %eq3A_98, %broadcast_in_dim3A_100, %select_n3A_95 : vector<16xi1>, vector<16xf32>
    %eq3A_102 = arith.constant 5 : i32
    %eq3A_103 = vector.broadcast %eq3A_102 : i32 to vector<16xi32>
    %eq3A_104 = arith.cmpi eq, %sub3A_53, %eq3A_103 : vector<16xi32>
    %jit3A_105 = arith.constant 5.120000e+02 : f32
    %broadcast_in_dim3A_106 = vector.broadcast %jit3A_105 : f32 to vector<16xf32>
    %select_n3A_107 = arith.select %eq3A_104, %broadcast_in_dim3A_106, %select_n3A_101 : vector<16xi1>, vector<16xf32>
    %eq3A_108 = arith.constant 4 : i32
    %eq3A_109 = vector.broadcast %eq3A_108 : i32 to vector<16xi32>
    %eq3A_110 = arith.cmpi eq, %sub3A_53, %eq3A_109 : vector<16xi32>
    %jit3A_111 = arith.constant 2.560000e+02 : f32
    %broadcast_in_dim3A_112 = vector.broadcast %jit3A_111 : f32 to vector<16xf32>
    %select_n3A_113 = arith.select %eq3A_110, %broadcast_in_dim3A_112, %select_n3A_107 : vector<16xi1>, vector<16xf32>
    %eq3A_114 = arith.constant 3 : i32
    %eq3A_115 = vector.broadcast %eq3A_114 : i32 to vector<16xi32>
    %eq3A_116 = arith.cmpi eq, %sub3A_53, %eq3A_115 : vector<16xi32>
    %jit3A_117 = arith.constant 1.280000e+02 : f32
    %broadcast_in_dim3A_118 = vector.broadcast %jit3A_117 : f32 to vector<16xf32>
    %select_n3A_119 = arith.select %eq3A_116, %broadcast_in_dim3A_118, %select_n3A_113 : vector<16xi1>, vector<16xf32>
    %eq3A_120 = arith.constant 2 : i32
    %eq3A_121 = vector.broadcast %eq3A_120 : i32 to vector<16xi32>
    %eq3A_122 = arith.cmpi eq, %sub3A_53, %eq3A_121 : vector<16xi32>
    %jit3A_123 = arith.constant 7.360000e+02 : f32
    %broadcast_in_dim3A_124 = vector.broadcast %jit3A_123 : f32 to vector<16xf32>
    %select_n3A_125 = arith.select %eq3A_122, %broadcast_in_dim3A_124, %select_n3A_119 : vector<16xi1>, vector<16xf32>
    %eq3A_126 = arith.constant 1 : i32
    %eq3A_127 = vector.broadcast %eq3A_126 : i32 to vector<16xi32>
    %eq3A_128 = arith.cmpi eq, %sub3A_53, %eq3A_127 : vector<16xi32>
    %jit3A_129 = arith.constant 3.680000e+02 : f32
    %broadcast_in_dim3A_130 = vector.broadcast %jit3A_129 : f32 to vector<16xf32>
    %select_n3A_131 = arith.select %eq3A_128, %broadcast_in_dim3A_130, %select_n3A_125 : vector<16xi1>, vector<16xf32>
    %eq3A_132 = arith.constant 0 : i32
    %eq3A_133 = vector.broadcast %eq3A_132 : i32 to vector<16xi32>
    %eq3A_134 = arith.cmpi eq, %sub3A_53, %eq3A_133 : vector<16xi32>
    %jit3A_135 = arith.constant 1.840000e+02 : f32
    %broadcast_in_dim3A_136 = vector.broadcast %jit3A_135 : f32 to vector<16xf32>
    %select_n3A_137 = arith.select %eq3A_134, %broadcast_in_dim3A_136, %select_n3A_131 : vector<16xi1>, vector<16xf32>
    %broadcast_in_dim3A_138 = arith.constant 7.040000e+02 : f32
    %broadcast_in_dim3A_139 = vector.broadcast %broadcast_in_dim3A_138 : f32 to vector<16xf32>
    %eq3A_140 = arith.constant 7 : i32
    %eq3A_141 = vector.broadcast %eq3A_140 : i32 to vector<16xi32>
    %eq3A_142 = arith.cmpi eq, %sub3A_53, %eq3A_141 : vector<16xi32>
    %jit3A_143 = arith.constant 3.520000e+02 : f32
    %broadcast_in_dim3A_144 = vector.broadcast %jit3A_143 : f32 to vector<16xf32>
    %select_n3A_145 = arith.select %eq3A_142, %broadcast_in_dim3A_144, %broadcast_in_dim3A_139 : vector<16xi1>, vector<16xf32>
    %eq3A_146 = arith.constant 6 : i32
    %eq3A_147 = vector.broadcast %eq3A_146 : i32 to vector<16xi32>
    %eq3A_148 = arith.cmpi eq, %sub3A_53, %eq3A_147 : vector<16xi32>
    %jit3A_149 = arith.constant 1.760000e+02 : f32
    %broadcast_in_dim3A_150 = vector.broadcast %jit3A_149 : f32 to vector<16xf32>
    %select_n3A_151 = arith.select %eq3A_148, %broadcast_in_dim3A_150, %select_n3A_145 : vector<16xi1>, vector<16xf32>
    %eq3A_152 = arith.constant 5 : i32
    %eq3A_153 = vector.broadcast %eq3A_152 : i32 to vector<16xi32>
    %eq3A_154 = arith.cmpi eq, %sub3A_53, %eq3A_153 : vector<16xi32>
    %jit3A_155 = arith.constant 5.120000e+02 : f32
    %broadcast_in_dim3A_156 = vector.broadcast %jit3A_155 : f32 to vector<16xf32>
    %select_n3A_157 = arith.select %eq3A_154, %broadcast_in_dim3A_156, %select_n3A_151 : vector<16xi1>, vector<16xf32>
    %eq3A_158 = arith.constant 4 : i32
    %eq3A_159 = vector.broadcast %eq3A_158 : i32 to vector<16xi32>
    %eq3A_160 = arith.cmpi eq, %sub3A_53, %eq3A_159 : vector<16xi32>
    %jit3A_161 = arith.constant 2.560000e+02 : f32
    %broadcast_in_dim3A_162 = vector.broadcast %jit3A_161 : f32 to vector<16xf32>
    %select_n3A_163 = arith.select %eq3A_160, %broadcast_in_dim3A_162, %select_n3A_157 : vector<16xi1>, vector<16xf32>
    %eq3A_164 = arith.constant 3 : i32
    %eq3A_165 = vector.broadcast %eq3A_164 : i32 to vector<16xi32>
    %eq3A_166 = arith.cmpi eq, %sub3A_53, %eq3A_165 : vector<16xi32>
    %jit3A_167 = arith.constant 1.280000e+02 : f32
    %broadcast_in_dim3A_168 = vector.broadcast %jit3A_167 : f32 to vector<16xf32>
    %select_n3A_169 = arith.select %eq3A_166, %broadcast_in_dim3A_168, %select_n3A_163 : vector<16xi1>, vector<16xf32>
    %eq3A_170 = arith.constant 2 : i32
    %eq3A_171 = vector.broadcast %eq3A_170 : i32 to vector<16xi32>
    %eq3A_172 = arith.cmpi eq, %sub3A_53, %eq3A_171 : vector<16xi32>
    %jit3A_173 = arith.constant 3.840000e+02 : f32
    %broadcast_in_dim3A_174 = vector.broadcast %jit3A_173 : f32 to vector<16xf32>
    %select_n3A_175 = arith.select %eq3A_172, %broadcast_in_dim3A_174, %select_n3A_169 : vector<16xi1>, vector<16xf32>
    %eq3A_176 = arith.constant 1 : i32
    %eq3A_177 = vector.broadcast %eq3A_176 : i32 to vector<16xi32>
    %eq3A_178 = arith.cmpi eq, %sub3A_53, %eq3A_177 : vector<16xi32>
    %jit3A_179 = arith.constant 1.920000e+02 : f32
    %broadcast_in_dim3A_180 = vector.broadcast %jit3A_179 : f32 to vector<16xf32>
    %select_n3A_181 = arith.select %eq3A_178, %broadcast_in_dim3A_180, %select_n3A_175 : vector<16xi1>, vector<16xf32>
    %eq3A_182 = arith.constant 0 : i32
    %eq3A_183 = vector.broadcast %eq3A_182 : i32 to vector<16xi32>
    %eq3A_184 = arith.cmpi eq, %sub3A_53, %eq3A_183 : vector<16xi32>
    %jit3A_185 = arith.constant 9.600000e+01 : f32
    %broadcast_in_dim3A_186 = vector.broadcast %jit3A_185 : f32 to vector<16xf32>
    %select_n3A_187 = arith.select %eq3A_184, %broadcast_in_dim3A_186, %select_n3A_181 : vector<16xi1>, vector<16xf32>
    %mul3A_188 = arith.constant 16 : i32
    %mul3A_189 = vector.broadcast %mul3A_188 : i32 to vector<16xi32>
    %mul3A_190 = arith.muli %sub3A_88, %mul3A_189 : vector<16xi32>
    %add3A_191 = arith.constant 8 : i32
    %add3A_192 = vector.broadcast %add3A_191 : i32 to vector<16xi32>
    %add3A_193 = arith.addi %mul3A_190, %add3A_192 : vector<16xi32>
    %convert_element_type3A = arith.sitofp %add3A_193 : vector<16xi32> to vector<16xf32>
    %mul3A_194 = arith.constant 16 : i32
    %mul3A_195 = vector.broadcast %mul3A_194 : i32 to vector<16xi32>
    %mul3A_196 = arith.muli %select_n3A_84, %mul3A_195 : vector<16xi32>
    %add3A_197 = arith.constant 8 : i32
    %add3A_198 = vector.broadcast %add3A_197 : i32 to vector<16xi32>
    %add3A_199 = arith.addi %mul3A_196, %add3A_198 : vector<16xi32>
    %convert_element_type3A_200 = arith.sitofp %add3A_199 : vector<16xi32> to vector<16xf32>
    %mul3A_201 = arith.mulf %get3A_11, %select_n3A_137 : vector<16xf32>
    %add3A_202 = arith.addf %mul3A_201, %convert_element_type3A : vector<16xf32>
    %mul3A_203 = arith.mulf %get3A_15, %select_n3A_187 : vector<16xf32>
    %add3A_204 = arith.addf %mul3A_203, %convert_element_type3A_200 : vector<16xf32>
    %exp3A = math.exp %get3A_19 : vector<16xf32>
    %mul3A_205 = arith.mulf %exp3A, %select_n3A_137 : vector<16xf32>
    %exp3A_206 = math.exp %get3A_23 : vector<16xf32>
    %mul3A_207 = arith.mulf %exp3A_206, %select_n3A_187 : vector<16xf32>
    %mul3A_208 = arith.constant 5.000000e-01 : f32
    %mul3A_209 = vector.broadcast %mul3A_208 : f32 to vector<16xf32>
    %mul3A_210 = arith.mulf %mul3A_209, %mul3A_205 : vector<16xf32>
    %sub3A_211 = arith.subf %add3A_202, %mul3A_210 : vector<16xf32>
    %max3A = arith.constant 0.000000e+00 : f32
    %max3A_212 = vector.broadcast %max3A : f32 to vector<16xf32>
    %max3A_213 = arith.maximumf %sub3A_211, %max3A_212 : vector<16xf32>
    %min3A = arith.constant 8.000000e+02 : f32
    %min3A_214 = vector.broadcast %min3A : f32 to vector<16xf32>
    %min3A_215 = arith.minimumf %max3A_213, %min3A_214 : vector<16xf32>
    %mul3A_216 = arith.constant 5.000000e-01 : f32
    %mul3A_217 = vector.broadcast %mul3A_216 : f32 to vector<16xf32>
    %mul3A_218 = arith.mulf %mul3A_217, %mul3A_207 : vector<16xf32>
    %sub3A_219 = arith.subf %add3A_204, %mul3A_218 : vector<16xf32>
    %max3A_220 = arith.constant 0.000000e+00 : f32
    %max3A_221 = vector.broadcast %max3A_220 : f32 to vector<16xf32>
    %max3A_222 = arith.maximumf %sub3A_219, %max3A_221 : vector<16xf32>
    %min3A_223 = arith.constant 8.000000e+02 : f32
    %min3A_224 = vector.broadcast %min3A_223 : f32 to vector<16xf32>
    %min3A_225 = arith.minimumf %max3A_222, %min3A_224 : vector<16xf32>
    %mul3A_226 = arith.constant 5.000000e-01 : f32
    %mul3A_227 = vector.broadcast %mul3A_226 : f32 to vector<16xf32>
    %mul3A_228 = arith.mulf %mul3A_227, %mul3A_205 : vector<16xf32>
    %add3A_229 = arith.addf %add3A_202, %mul3A_228 : vector<16xf32>
    %max3A_230 = arith.constant 0.000000e+00 : f32
    %max3A_231 = vector.broadcast %max3A_230 : f32 to vector<16xf32>
    %max3A_232 = arith.maximumf %add3A_229, %max3A_231 : vector<16xf32>
    %min3A_233 = arith.constant 8.000000e+02 : f32
    %min3A_234 = vector.broadcast %min3A_233 : f32 to vector<16xf32>
    %min3A_235 = arith.minimumf %max3A_232, %min3A_234 : vector<16xf32>
    %mul3A_236 = arith.constant 5.000000e-01 : f32
    %mul3A_237 = vector.broadcast %mul3A_236 : f32 to vector<16xf32>
    %mul3A_238 = arith.mulf %mul3A_237, %mul3A_207 : vector<16xf32>
    %add3A_239 = arith.addf %add3A_204, %mul3A_238 : vector<16xf32>
    %max3A_240 = arith.constant 0.000000e+00 : f32
    %max3A_241 = vector.broadcast %max3A_240 : f32 to vector<16xf32>
    %max3A_242 = arith.maximumf %add3A_239, %max3A_241 : vector<16xf32>
    %min3A_243 = arith.constant 8.000000e+02 : f32
    %min3A_244 = vector.broadcast %min3A_243 : f32 to vector<16xf32>
    %min3A_245 = arith.minimumf %max3A_242, %min3A_244 : vector<16xf32>
    %sub3A_246 = arith.subf %min3A_235, %min3A_215 : vector<16xf32>
    %ge3A = arith.constant 1.600000e+01 : f32
    %ge3A_247 = vector.broadcast %ge3A : f32 to vector<16xf32>
    %ge3A_248 = arith.cmpf oge, %sub3A_246, %ge3A_247 : vector<16xf32>
    %sub3A_249 = arith.subf %min3A_245, %min3A_225 : vector<16xf32>
    %ge3A_250 = arith.constant 1.600000e+01 : f32
    %ge3A_251 = vector.broadcast %ge3A_250 : f32 to vector<16xf32>
    %ge3A_252 = arith.cmpf oge, %sub3A_249, %ge3A_251 : vector<16xf32>
    %and3A_253 = arith.andi %ge3A_248, %ge3A_252 : vector<16xi1>
    %lt3A = arith.constant 22500 : i32
    %lt3A_254 = vector.broadcast %lt3A : i32 to vector<16xi32>
    %lt3A_255 = arith.cmpi slt, %add3A_26, %lt3A_254 : vector<16xi32>
    %and3A_256 = arith.andi %and3A_253, %lt3A_255 : vector<16xi1>
    %convert_element_type3A_257 = arith.extui %and3A_256 : vector<16xi1> to vector<16xi32>
    %lt3A_258 = arith.constant 6000 : i32
    %lt3A_259 = vector.broadcast %lt3A_258 : i32 to vector<16xi32>
    %lt3A_260 = arith.cmpi slt, %add3A_26, %lt3A_259 : vector<16xi32>
    %jit3A_261 = arith.constant 0 : i32
    %broadcast_in_dim3A_262 = vector.broadcast %jit3A_261 : i32 to vector<16xi32>
    %select_n3A_263 = arith.select %lt3A_260, %convert_element_type3A_257, %broadcast_in_dim3A_262 : vector<16xi1>, vector<16xi32>
    %eq3A_264 = arith.constant 0 : i32
    %eq3A_265 = arith.cmpi eq, %arg1, %eq3A_264 : i32
    %convert_element_type3A_266 = arith.extui %eq3A_265 : i1 to i32
    %cond3A = arith.constant 0 : i32
    %cond3A_267 = arith.cmpi ne, %convert_element_type3A_266, %cond3A : i32
    scf.if %cond3A_267 {
      %bitcast3A = vector.bitcast %min3A_215 : vector<16xf32> to vector<16xi32>
      %swap3A_299 = arith.constant 0 : i32
      %swap3A_300 = arith.index_cast %swap3A_299 : i32 to index
      %swap3A_301 = arith.constant 0 : index
      %swap3A_302 = tpu.vector_load %arg6[%swap3A_300, %swap3A_301] {strides = array<i32>} : memref<4x16xi32, #tpu.memory_space<vmem>>, vector<16xi32>,
      tpu.vector_store %arg6[%swap3A_300, %swap3A_301], %bitcast3A {strides = array<i32>} : memref<4x16xi32, #tpu.memory_space<vmem>>, vector<16xi32>,
      %bitcast3A_303 = vector.bitcast %min3A_225 : vector<16xf32> to vector<16xi32>
      %swap3A_304 = arith.constant 1 : i32
      %swap3A_305 = arith.index_cast %swap3A_304 : i32 to index
      %swap3A_306 = arith.constant 0 : index
      %swap3A_307 = tpu.vector_load %arg6[%swap3A_305, %swap3A_306] {strides = array<i32>} : memref<4x16xi32, #tpu.memory_space<vmem>>, vector<16xi32>,
      tpu.vector_store %arg6[%swap3A_305, %swap3A_306], %bitcast3A_303 {strides = array<i32>} : memref<4x16xi32, #tpu.memory_space<vmem>>, vector<16xi32>,
      %bitcast3A_308 = vector.bitcast %min3A_235 : vector<16xf32> to vector<16xi32>
      %swap3A_309 = arith.constant 2 : i32
      %swap3A_310 = arith.index_cast %swap3A_309 : i32 to index
      %swap3A_311 = arith.constant 0 : index
      %swap3A_312 = tpu.vector_load %arg6[%swap3A_310, %swap3A_311] {strides = array<i32>} : memref<4x16xi32, #tpu.memory_space<vmem>>, vector<16xi32>,
      tpu.vector_store %arg6[%swap3A_310, %swap3A_311], %bitcast3A_308 {strides = array<i32>} : memref<4x16xi32, #tpu.memory_space<vmem>>, vector<16xi32>,
      %bitcast3A_313 = vector.bitcast %min3A_245 : vector<16xf32> to vector<16xi32>
      %swap3A_314 = arith.constant 3 : i32
      %swap3A_315 = arith.index_cast %swap3A_314 : i32 to index
      %swap3A_316 = arith.constant 0 : index
      %swap3A_317 = tpu.vector_load %arg6[%swap3A_315, %swap3A_316] {strides = array<i32>} : memref<4x16xi32, #tpu.memory_space<vmem>>, vector<16xi32>,
      tpu.vector_store %arg6[%swap3A_315, %swap3A_316], %bitcast3A_313 {strides = array<i32>} : memref<4x16xi32, #tpu.memory_space<vmem>>, vector<16xi32>,
      %swap3A_318 = arith.constant 0 : index
      %swap3A_319 = tpu.vector_load %arg7[%swap3A_318] {strides = array<i32>} : memref<16xi32, #tpu.memory_space<vmem>>, vector<16xi32>,
      tpu.vector_store %arg7[%swap3A_318], %convert_element_type3A_257 {strides = array<i32>} : memref<16xi32, #tpu.memory_space<vmem>>, vector<16xi32>,
    } else {
    }
    %scan3A = arith.constant 1 : i32
    %scan3A_268 = arith.constant 87 : i32
    %scan3A_269 = arith.addi %scan3A, %scan3A_268 : i32
    %scan3A_270 = arith.constant 1 : i32
    %scan3A_271:2 = scf.for %scan3A_299 = %scan3A to %scan3A_269 step %scan3A_270 iter_args(%scan3A_300 = %convert_element_type3A_257, %scan3A_301 = %select_n3A_263) -> (vector<16xi32>, vector<16xi32>)  : i32 {
      %mul3A_302 = arith.constant 16 : i32
      %mul3A_303 = arith.muli %scan3A_299, %mul3A_302 : i32
      %get3A_304 = arith.constant 0 : i32
      %get3A_305 = arith.index_cast %get3A_304 : i32 to index
      %get3A_306 = arith.index_cast %mul3A_303 : i32 to index
      %get3A_307 = tpu.vector_load %arg5[%get3A_305, %get3A_306] {strides = array<i32>} : memref<4x1408xf32, #tpu.memory_space<vmem>>, vector<16xf32>,
      %get3A_308 = arith.constant 1 : i32
      %get3A_309 = arith.index_cast %get3A_308 : i32 to index
      %get3A_310 = arith.index_cast %mul3A_303 : i32 to index
      %get3A_311 = tpu.vector_load %arg5[%get3A_309, %get3A_310] {strides = array<i32>} : memref<4x1408xf32, #tpu.memory_space<vmem>>, vector<16xf32>,
      %get3A_312 = arith.constant 2 : i32
      %get3A_313 = arith.index_cast %get3A_312 : i32 to index
      %get3A_314 = arith.index_cast %mul3A_303 : i32 to index
      %get3A_315 = tpu.vector_load %arg5[%get3A_313, %get3A_314] {strides = array<i32>} : memref<4x1408xf32, #tpu.memory_space<vmem>>, vector<16xf32>,
      %get3A_316 = arith.constant 3 : i32
      %get3A_317 = arith.index_cast %get3A_316 : i32 to index
      %get3A_318 = arith.index_cast %mul3A_303 : i32 to index
      %get3A_319 = tpu.vector_load %arg5[%get3A_317, %get3A_318] {strides = array<i32>} : memref<4x1408xf32, #tpu.memory_space<vmem>>, vector<16xf32>,
      %add3A_320 = arith.addi %mul3A_303, %mul3A_0 : i32
      %add3A_321 = vector.broadcast %add3A_320 : i32 to vector<16xi32>
      %add3A_322 = arith.addi %iota3A, %add3A_321 : vector<16xi32>
      %jit3A_323 = arith.constant 9 : i32
      %div3A_324 = vector.broadcast %jit3A_323 : i32 to vector<16xi32>
      %div3A_325 = arith.divsi %add3A_322, %div3A_324 : vector<16xi32>
      %sign3A_326 = arith.constant 0 : i32
      %sign3A_327 = vector.broadcast %sign3A_326 : i32 to vector<16xi32>
      %sign3A_328 = arith.cmpi sgt, %add3A_322, %sign3A_327 : vector<16xi32>
      %sign3A_329 = arith.extui %sign3A_328 : vector<16xi1> to vector<16xi32>
      %sign3A_330 = arith.constant 0 : i32
      %sign3A_331 = vector.broadcast %sign3A_330 : i32 to vector<16xi32>
      %sign3A_332 = arith.cmpi slt, %add3A_322, %sign3A_331 : vector<16xi32>
      %sign3A_333 = arith.extui %sign3A_332 : vector<16xi1> to vector<16xi32>
      %sign3A_334 = arith.subi %sign3A_329, %sign3A_333 : vector<16xi32>
      %sign3A_335 = arith.constant 0 : i32
      %sign3A_336 = arith.cmpi sgt, %jit3A_323, %sign3A_335 : i32
      %sign3A_337 = arith.extui %sign3A_336 : i1 to i32
      %sign3A_338 = arith.constant 0 : i32
      %sign3A_339 = arith.cmpi slt, %jit3A_323, %sign3A_338 : i32
      %sign3A_340 = arith.extui %sign3A_339 : i1 to i32
      %sign3A_341 = arith.subi %sign3A_337, %sign3A_340 : i32
      %ne3A_342 = vector.broadcast %sign3A_341 : i32 to vector<16xi32>
      %ne3A_343 = arith.cmpi ne, %sign3A_334, %ne3A_342 : vector<16xi32>
      %rem3A_344 = vector.broadcast %jit3A_323 : i32 to vector<16xi32>
      %rem3A_345 = arith.remsi %add3A_322, %rem3A_344 : vector<16xi32>
      %ne3A_346 = arith.constant 0 : i32
      %ne3A_347 = vector.broadcast %ne3A_346 : i32 to vector<16xi32>
      %ne3A_348 = arith.cmpi ne, %rem3A_345, %ne3A_347 : vector<16xi32>
      %and3A_349 = arith.andi %ne3A_343, %ne3A_348 : vector<16xi1>
      %sub3A_350 = arith.constant 1 : i32
      %sub3A_351 = vector.broadcast %sub3A_350 : i32 to vector<16xi32>
      %sub3A_352 = arith.subi %div3A_325, %sub3A_351 : vector<16xi32>
      %select_n3A_353 = arith.select %and3A_349, %sub3A_352, %div3A_325 : vector<16xi1>, vector<16xi32>
      %mul3A_354 = arith.constant 9 : i32
      %mul3A_355 = vector.broadcast %mul3A_354 : i32 to vector<16xi32>
      %mul3A_356 = arith.muli %select_n3A_353, %mul3A_355 : vector<16xi32>
      %sub3A_357 = arith.subi %add3A_322, %mul3A_356 : vector<16xi32>
      %jit3A_358 = arith.constant 450 : i32
      %div3A_359 = vector.broadcast %jit3A_358 : i32 to vector<16xi32>
      %div3A_360 = arith.divsi %add3A_322, %div3A_359 : vector<16xi32>
      %sign3A_361 = arith.constant 0 : i32
      %sign3A_362 = vector.broadcast %sign3A_361 : i32 to vector<16xi32>
      %sign3A_363 = arith.cmpi sgt, %add3A_322, %sign3A_362 : vector<16xi32>
      %sign3A_364 = arith.extui %sign3A_363 : vector<16xi1> to vector<16xi32>
      %sign3A_365 = arith.constant 0 : i32
      %sign3A_366 = vector.broadcast %sign3A_365 : i32 to vector<16xi32>
      %sign3A_367 = arith.cmpi slt, %add3A_322, %sign3A_366 : vector<16xi32>
      %sign3A_368 = arith.extui %sign3A_367 : vector<16xi1> to vector<16xi32>
      %sign3A_369 = arith.subi %sign3A_364, %sign3A_368 : vector<16xi32>
      %sign3A_370 = arith.constant 0 : i32
      %sign3A_371 = arith.cmpi sgt, %jit3A_358, %sign3A_370 : i32
      %sign3A_372 = arith.extui %sign3A_371 : i1 to i32
      %sign3A_373 = arith.constant 0 : i32
      %sign3A_374 = arith.cmpi slt, %jit3A_358, %sign3A_373 : i32
      %sign3A_375 = arith.extui %sign3A_374 : i1 to i32
      %sign3A_376 = arith.subi %sign3A_372, %sign3A_375 : i32
      %ne3A_377 = vector.broadcast %sign3A_376 : i32 to vector<16xi32>
      %ne3A_378 = arith.cmpi ne, %sign3A_369, %ne3A_377 : vector<16xi32>
      %rem3A_379 = vector.broadcast %jit3A_358 : i32 to vector<16xi32>
      %rem3A_380 = arith.remsi %add3A_322, %rem3A_379 : vector<16xi32>
      %ne3A_381 = arith.constant 0 : i32
      %ne3A_382 = vector.broadcast %ne3A_381 : i32 to vector<16xi32>
      %ne3A_383 = arith.cmpi ne, %rem3A_380, %ne3A_382 : vector<16xi32>
      %and3A_384 = arith.andi %ne3A_378, %ne3A_383 : vector<16xi1>
      %sub3A_385 = arith.constant 1 : i32
      %sub3A_386 = vector.broadcast %sub3A_385 : i32 to vector<16xi32>
      %sub3A_387 = arith.subi %div3A_360, %sub3A_386 : vector<16xi32>
      %select_n3A_388 = arith.select %and3A_384, %sub3A_387, %div3A_360 : vector<16xi1>, vector<16xi32>
      %mul3A_389 = arith.constant 50 : i32
      %mul3A_390 = vector.broadcast %mul3A_389 : i32 to vector<16xi32>
      %mul3A_391 = arith.muli %select_n3A_388, %mul3A_390 : vector<16xi32>
      %sub3A_392 = arith.subi %select_n3A_353, %mul3A_391 : vector<16xi32>
      %broadcast_in_dim3A_393 = arith.constant 3.520000e+02 : f32
      %broadcast_in_dim3A_394 = vector.broadcast %broadcast_in_dim3A_393 : f32 to vector<16xf32>
      %eq3A_395 = arith.constant 7 : i32
      %eq3A_396 = vector.broadcast %eq3A_395 : i32 to vector<16xi32>
      %eq3A_397 = arith.cmpi eq, %sub3A_357, %eq3A_396 : vector<16xi32>
      %jit3A_398 = arith.constant 1.760000e+02 : f32
      %broadcast_in_dim3A_399 = vector.broadcast %jit3A_398 : f32 to vector<16xf32>
      %select_n3A_400 = arith.select %eq3A_397, %broadcast_in_dim3A_399, %broadcast_in_dim3A_394 : vector<16xi1>, vector<16xf32>
      %eq3A_401 = arith.constant 6 : i32
      %eq3A_402 = vector.broadcast %eq3A_401 : i32 to vector<16xi32>
      %eq3A_403 = arith.cmpi eq, %sub3A_357, %eq3A_402 : vector<16xi32>
      %jit3A_404 = arith.constant 8.800000e+01 : f32
      %broadcast_in_dim3A_405 = vector.broadcast %jit3A_404 : f32 to vector<16xf32>
      %select_n3A_406 = arith.select %eq3A_403, %broadcast_in_dim3A_405, %select_n3A_400 : vector<16xi1>, vector<16xf32>
      %eq3A_407 = arith.constant 5 : i32
      %eq3A_408 = vector.broadcast %eq3A_407 : i32 to vector<16xi32>
      %eq3A_409 = arith.cmpi eq, %sub3A_357, %eq3A_408 : vector<16xi32>
      %jit3A_410 = arith.constant 5.120000e+02 : f32
      %broadcast_in_dim3A_411 = vector.broadcast %jit3A_410 : f32 to vector<16xf32>
      %select_n3A_412 = arith.select %eq3A_409, %broadcast_in_dim3A_411, %select_n3A_406 : vector<16xi1>, vector<16xf32>
      %eq3A_413 = arith.constant 4 : i32
      %eq3A_414 = vector.broadcast %eq3A_413 : i32 to vector<16xi32>
      %eq3A_415 = arith.cmpi eq, %sub3A_357, %eq3A_414 : vector<16xi32>
      %jit3A_416 = arith.constant 2.560000e+02 : f32
      %broadcast_in_dim3A_417 = vector.broadcast %jit3A_416 : f32 to vector<16xf32>
      %select_n3A_418 = arith.select %eq3A_415, %broadcast_in_dim3A_417, %select_n3A_412 : vector<16xi1>, vector<16xf32>
      %eq3A_419 = arith.constant 3 : i32
      %eq3A_420 = vector.broadcast %eq3A_419 : i32 to vector<16xi32>
      %eq3A_421 = arith.cmpi eq, %sub3A_357, %eq3A_420 : vector<16xi32>
      %jit3A_422 = arith.constant 1.280000e+02 : f32
      %broadcast_in_dim3A_423 = vector.broadcast %jit3A_422 : f32 to vector<16xf32>
      %select_n3A_424 = arith.select %eq3A_421, %broadcast_in_dim3A_423, %select_n3A_418 : vector<16xi1>, vector<16xf32>
      %eq3A_425 = arith.constant 2 : i32
      %eq3A_426 = vector.broadcast %eq3A_425 : i32 to vector<16xi32>
      %eq3A_427 = arith.cmpi eq, %sub3A_357, %eq3A_426 : vector<16xi32>
      %jit3A_428 = arith.constant 7.360000e+02 : f32
      %broadcast_in_dim3A_429 = vector.broadcast %jit3A_428 : f32 to vector<16xf32>
      %select_n3A_430 = arith.select %eq3A_427, %broadcast_in_dim3A_429, %select_n3A_424 : vector<16xi1>, vector<16xf32>
      %eq3A_431 = arith.constant 1 : i32
      %eq3A_432 = vector.broadcast %eq3A_431 : i32 to vector<16xi32>
      %eq3A_433 = arith.cmpi eq, %sub3A_357, %eq3A_432 : vector<16xi32>
      %jit3A_434 = arith.constant 3.680000e+02 : f32
      %broadcast_in_dim3A_435 = vector.broadcast %jit3A_434 : f32 to vector<16xf32>
      %select_n3A_436 = arith.select %eq3A_433, %broadcast_in_dim3A_435, %select_n3A_430 : vector<16xi1>, vector<16xf32>
      %eq3A_437 = arith.constant 0 : i32
      %eq3A_438 = vector.broadcast %eq3A_437 : i32 to vector<16xi32>
      %eq3A_439 = arith.cmpi eq, %sub3A_357, %eq3A_438 : vector<16xi32>
      %jit3A_440 = arith.constant 1.840000e+02 : f32
      %broadcast_in_dim3A_441 = vector.broadcast %jit3A_440 : f32 to vector<16xf32>
      %select_n3A_442 = arith.select %eq3A_439, %broadcast_in_dim3A_441, %select_n3A_436 : vector<16xi1>, vector<16xf32>
      %broadcast_in_dim3A_443 = arith.constant 7.040000e+02 : f32
      %broadcast_in_dim3A_444 = vector.broadcast %broadcast_in_dim3A_443 : f32 to vector<16xf32>
      %eq3A_445 = arith.constant 7 : i32
      %eq3A_446 = vector.broadcast %eq3A_445 : i32 to vector<16xi32>
      %eq3A_447 = arith.cmpi eq, %sub3A_357, %eq3A_446 : vector<16xi32>
      %jit3A_448 = arith.constant 3.520000e+02 : f32
      %broadcast_in_dim3A_449 = vector.broadcast %jit3A_448 : f32 to vector<16xf32>
      %select_n3A_450 = arith.select %eq3A_447, %broadcast_in_dim3A_449, %broadcast_in_dim3A_444 : vector<16xi1>, vector<16xf32>
      %eq3A_451 = arith.constant 6 : i32
      %eq3A_452 = vector.broadcast %eq3A_451 : i32 to vector<16xi32>
      %eq3A_453 = arith.cmpi eq, %sub3A_357, %eq3A_452 : vector<16xi32>
      %jit3A_454 = arith.constant 1.760000e+02 : f32
      %broadcast_in_dim3A_455 = vector.broadcast %jit3A_454 : f32 to vector<16xf32>
      %select_n3A_456 = arith.select %eq3A_453, %broadcast_in_dim3A_455, %select_n3A_450 : vector<16xi1>, vector<16xf32>
      %eq3A_457 = arith.constant 5 : i32
      %eq3A_458 = vector.broadcast %eq3A_457 : i32 to vector<16xi32>
      %eq3A_459 = arith.cmpi eq, %sub3A_357, %eq3A_458 : vector<16xi32>
      %jit3A_460 = arith.constant 5.120000e+02 : f32
      %broadcast_in_dim3A_461 = vector.broadcast %jit3A_460 : f32 to vector<16xf32>
      %select_n3A_462 = arith.select %eq3A_459, %broadcast_in_dim3A_461, %select_n3A_456 : vector<16xi1>, vector<16xf32>
      %eq3A_463 = arith.constant 4 : i32
      %eq3A_464 = vector.broadcast %eq3A_463 : i32 to vector<16xi32>
      %eq3A_465 = arith.cmpi eq, %sub3A_357, %eq3A_464 : vector<16xi32>
      %jit3A_466 = arith.constant 2.560000e+02 : f32
      %broadcast_in_dim3A_467 = vector.broadcast %jit3A_466 : f32 to vector<16xf32>
      %select_n3A_468 = arith.select %eq3A_465, %broadcast_in_dim3A_467, %select_n3A_462 : vector<16xi1>, vector<16xf32>
      %eq3A_469 = arith.constant 3 : i32
      %eq3A_470 = vector.broadcast %eq3A_469 : i32 to vector<16xi32>
      %eq3A_471 = arith.cmpi eq, %sub3A_357, %eq3A_470 : vector<16xi32>
      %jit3A_472 = arith.constant 1.280000e+02 : f32
      %broadcast_in_dim3A_473 = vector.broadcast %jit3A_472 : f32 to vector<16xf32>
      %select_n3A_474 = arith.select %eq3A_471, %broadcast_in_dim3A_473, %select_n3A_468 : vector<16xi1>, vector<16xf32>
      %eq3A_475 = arith.constant 2 : i32
      %eq3A_476 = vector.broadcast %eq3A_475 : i32 to vector<16xi32>
      %eq3A_477 = arith.cmpi eq, %sub3A_357, %eq3A_476 : vector<16xi32>
      %jit3A_478 = arith.constant 3.840000e+02 : f32
      %broadcast_in_dim3A_479 = vector.broadcast %jit3A_478 : f32 to vector<16xf32>
      %select_n3A_480 = arith.select %eq3A_477, %broadcast_in_dim3A_479, %select_n3A_474 : vector<16xi1>, vector<16xf32>
      %eq3A_481 = arith.constant 1 : i32
      %eq3A_482 = vector.broadcast %eq3A_481 : i32 to vector<16xi32>
      %eq3A_483 = arith.cmpi eq, %sub3A_357, %eq3A_482 : vector<16xi32>
      %jit3A_484 = arith.constant 1.920000e+02 : f32
      %broadcast_in_dim3A_485 = vector.broadcast %jit3A_484 : f32 to vector<16xf32>
      %select_n3A_486 = arith.select %eq3A_483, %broadcast_in_dim3A_485, %select_n3A_480 : vector<16xi1>, vector<16xf32>
      %eq3A_487 = arith.constant 0 : i32
      %eq3A_488 = vector.broadcast %eq3A_487 : i32 to vector<16xi32>
      %eq3A_489 = arith.cmpi eq, %sub3A_357, %eq3A_488 : vector<16xi32>
      %jit3A_490 = arith.constant 9.600000e+01 : f32
      %broadcast_in_dim3A_491 = vector.broadcast %jit3A_490 : f32 to vector<16xf32>
      %select_n3A_492 = arith.select %eq3A_489, %broadcast_in_dim3A_491, %select_n3A_486 : vector<16xi1>, vector<16xf32>
      %mul3A_493 = arith.constant 16 : i32
      %mul3A_494 = vector.broadcast %mul3A_493 : i32 to vector<16xi32>
      %mul3A_495 = arith.muli %sub3A_392, %mul3A_494 : vector<16xi32>
      %add3A_496 = arith.constant 8 : i32
      %add3A_497 = vector.broadcast %add3A_496 : i32 to vector<16xi32>
      %add3A_498 = arith.addi %mul3A_495, %add3A_497 : vector<16xi32>
      %convert_element_type3A_499 = arith.sitofp %add3A_498 : vector<16xi32> to vector<16xf32>
      %mul3A_500 = arith.constant 16 : i32
      %mul3A_501 = vector.broadcast %mul3A_500 : i32 to vector<16xi32>
      %mul3A_502 = arith.muli %select_n3A_388, %mul3A_501 : vector<16xi32>
      %add3A_503 = arith.constant 8 : i32
      %add3A_504 = vector.broadcast %add3A_503 : i32 to vector<16xi32>
      %add3A_505 = arith.addi %mul3A_502, %add3A_504 : vector<16xi32>
      %convert_element_type3A_506 = arith.sitofp %add3A_505 : vector<16xi32> to vector<16xf32>
      %mul3A_507 = arith.mulf %get3A_307, %select_n3A_442 : vector<16xf32>
      %add3A_508 = arith.addf %mul3A_507, %convert_element_type3A_499 : vector<16xf32>
      %mul3A_509 = arith.mulf %get3A_311, %select_n3A_492 : vector<16xf32>
      %add3A_510 = arith.addf %mul3A_509, %convert_element_type3A_506 : vector<16xf32>
      %exp3A_511 = math.exp %get3A_315 : vector<16xf32>
      %mul3A_512 = arith.mulf %exp3A_511, %select_n3A_442 : vector<16xf32>
      %exp3A_513 = math.exp %get3A_319 : vector<16xf32>
      %mul3A_514 = arith.mulf %exp3A_513, %select_n3A_492 : vector<16xf32>
      %mul3A_515 = arith.constant 5.000000e-01 : f32
      %mul3A_516 = vector.broadcast %mul3A_515 : f32 to vector<16xf32>
      %mul3A_517 = arith.mulf %mul3A_516, %mul3A_512 : vector<16xf32>
      %sub3A_518 = arith.subf %add3A_508, %mul3A_517 : vector<16xf32>
      %max3A_519 = arith.constant 0.000000e+00 : f32
      %max3A_520 = vector.broadcast %max3A_519 : f32 to vector<16xf32>
      %max3A_521 = arith.maximumf %sub3A_518, %max3A_520 : vector<16xf32>
      %min3A_522 = arith.constant 8.000000e+02 : f32
      %min3A_523 = vector.broadcast %min3A_522 : f32 to vector<16xf32>
      %min3A_524 = arith.minimumf %max3A_521, %min3A_523 : vector<16xf32>
      %mul3A_525 = arith.constant 5.000000e-01 : f32
      %mul3A_526 = vector.broadcast %mul3A_525 : f32 to vector<16xf32>
      %mul3A_527 = arith.mulf %mul3A_526, %mul3A_514 : vector<16xf32>
      %sub3A_528 = arith.subf %add3A_510, %mul3A_527 : vector<16xf32>
      %max3A_529 = arith.constant 0.000000e+00 : f32
      %max3A_530 = vector.broadcast %max3A_529 : f32 to vector<16xf32>
      %max3A_531 = arith.maximumf %sub3A_528, %max3A_530 : vector<16xf32>
      %min3A_532 = arith.constant 8.000000e+02 : f32
      %min3A_533 = vector.broadcast %min3A_532 : f32 to vector<16xf32>
      %min3A_534 = arith.minimumf %max3A_531, %min3A_533 : vector<16xf32>
      %mul3A_535 = arith.constant 5.000000e-01 : f32
      %mul3A_536 = vector.broadcast %mul3A_535 : f32 to vector<16xf32>
      %mul3A_537 = arith.mulf %mul3A_536, %mul3A_512 : vector<16xf32>
      %add3A_538 = arith.addf %add3A_508, %mul3A_537 : vector<16xf32>
      %max3A_539 = arith.constant 0.000000e+00 : f32
      %max3A_540 = vector.broadcast %max3A_539 : f32 to vector<16xf32>
      %max3A_541 = arith.maximumf %add3A_538, %max3A_540 : vector<16xf32>
      %min3A_542 = arith.constant 8.000000e+02 : f32
      %min3A_543 = vector.broadcast %min3A_542 : f32 to vector<16xf32>
      %min3A_544 = arith.minimumf %max3A_541, %min3A_543 : vector<16xf32>
      %mul3A_545 = arith.constant 5.000000e-01 : f32
      %mul3A_546 = vector.broadcast %mul3A_545 : f32 to vector<16xf32>
      %mul3A_547 = arith.mulf %mul3A_546, %mul3A_514 : vector<16xf32>
      %add3A_548 = arith.addf %add3A_510, %mul3A_547 : vector<16xf32>
      %max3A_549 = arith.constant 0.000000e+00 : f32
      %max3A_550 = vector.broadcast %max3A_549 : f32 to vector<16xf32>
      %max3A_551 = arith.maximumf %add3A_548, %max3A_550 : vector<16xf32>
      %min3A_552 = arith.constant 8.000000e+02 : f32
      %min3A_553 = vector.broadcast %min3A_552 : f32 to vector<16xf32>
      %min3A_554 = arith.minimumf %max3A_551, %min3A_553 : vector<16xf32>
      %sub3A_555 = arith.subf %min3A_544, %min3A_524 : vector<16xf32>
      %ge3A_556 = arith.constant 1.600000e+01 : f32
      %ge3A_557 = vector.broadcast %ge3A_556 : f32 to vector<16xf32>
      %ge3A_558 = arith.cmpf oge, %sub3A_555, %ge3A_557 : vector<16xf32>
      %sub3A_559 = arith.subf %min3A_554, %min3A_534 : vector<16xf32>
      %ge3A_560 = arith.constant 1.600000e+01 : f32
      %ge3A_561 = vector.broadcast %ge3A_560 : f32 to vector<16xf32>
      %ge3A_562 = arith.cmpf oge, %sub3A_559, %ge3A_561 : vector<16xf32>
      %and3A_563 = arith.andi %ge3A_558, %ge3A_562 : vector<16xi1>
      %lt3A_564 = arith.constant 22500 : i32
      %lt3A_565 = vector.broadcast %lt3A_564 : i32 to vector<16xi32>
      %lt3A_566 = arith.cmpi slt, %add3A_322, %lt3A_565 : vector<16xi32>
      %and3A_567 = arith.andi %and3A_563, %lt3A_566 : vector<16xi1>
      %convert_element_type3A_568 = arith.extui %and3A_567 : vector<16xi1> to vector<16xi32>
      %lt3A_569 = arith.constant 6000 : i32
      %lt3A_570 = vector.broadcast %lt3A_569 : i32 to vector<16xi32>
      %lt3A_571 = arith.cmpi slt, %add3A_322, %lt3A_570 : vector<16xi32>
      %jit3A_572 = arith.constant 0 : i32
      %broadcast_in_dim3A_573 = vector.broadcast %jit3A_572 : i32 to vector<16xi32>
      %select_n3A_574 = arith.select %lt3A_571, %convert_element_type3A_568, %broadcast_in_dim3A_573 : vector<16xi1>, vector<16xi32>
      %add3A_575 = arith.addi %scan3A_300, %convert_element_type3A_568 : vector<16xi32>
      %add3A_576 = arith.addi %scan3A_301, %select_n3A_574 : vector<16xi32>
      scf.yield %add3A_575, %add3A_576 : vector<16xi32>, vector<16xi32>
    }
    %scan3A_272 = arith.constant 87 : i32
    %swap3A = arith.constant 0 : index
    %swap3A_273 = tpu.vector_load %arg8[%swap3A] {strides = array<i32>} : memref<32xi32, #tpu.memory_space<vmem>>, vector<16xi32>,
    tpu.vector_store %arg8[%swap3A], %scan3A_271#0 {strides = array<i32>} : memref<32xi32, #tpu.memory_space<vmem>>, vector<16xi32>,
    %swap3A_274 = arith.constant 16 : index
    %swap3A_275 = tpu.vector_load %arg8[%swap3A_274] {strides = array<i32>} : memref<32xi32, #tpu.memory_space<vmem>>, vector<16xi32>,
    tpu.vector_store %arg8[%swap3A_274], %scan3A_271#1 {strides = array<i32>} : memref<32xi32, #tpu.memory_space<vmem>>, vector<16xi32>,
    "tpu.region"() ({
      %run_scoped3A_299 = tpu.sem_alloc : memref<!tpu.dma_semaphore, #tpu.memory_space<semaphore_mem>>
      %dma_start3A = arith.constant 0 : i32
      %dma_start3A_300 = tpu.memref_slice %arg13[%arg1, %dma_start3A] : memref<16x32xi32, #tpu.memory_space<vmem_shared>> -> memref<1x32xi32, #tpu.memory_space<vmem_shared>>
      %dma_start3A_301 = tpu.memref_squeeze %dma_start3A_300 : memref<1x32xi32, #tpu.memory_space<vmem_shared>> -> memref<32xi32, #tpu.memory_space<vmem_shared>>
      %dma_start3A_302 = arith.constant 0 : i32
      %dma_start3A_303 = tpu.memref_slice %arg13[%arg1, %dma_start3A_302] : memref<16x32xi32, #tpu.memory_space<vmem_shared>> -> memref<1x32xi32, #tpu.memory_space<vmem_shared>>
      %dma_start3A_304 = tpu.memref_squeeze %dma_start3A_303 : memref<1x32xi32, #tpu.memory_space<vmem_shared>> -> memref<32xi32, #tpu.memory_space<vmem_shared>>
      tpu.enqueue_dma source(%arg8 : memref<32xi32, #tpu.memory_space<vmem>>) target(%dma_start3A_304 : memref<32xi32, #tpu.memory_space<vmem_shared>>) target_semaphore(%run_scoped3A_299 : memref<!tpu.dma_semaphore, #tpu.memory_space<semaphore_mem>>)
      %dma_wait3A = arith.constant 0 : i32
      %dma_wait3A_305 = tpu.memref_slice %arg13[%arg1, %dma_wait3A] : memref<16x32xi32, #tpu.memory_space<vmem_shared>> -> memref<1x32xi32, #tpu.memory_space<vmem_shared>>
      %dma_wait3A_306 = tpu.memref_squeeze %dma_wait3A_305 : memref<1x32xi32, #tpu.memory_space<vmem_shared>> -> memref<32xi32, #tpu.memory_space<vmem_shared>>
      %dma_wait3A_307 = arith.constant 0 : i32
      %dma_wait3A_308 = tpu.memref_slice %arg13[%arg1, %dma_wait3A_307] : memref<16x32xi32, #tpu.memory_space<vmem_shared>> -> memref<1x32xi32, #tpu.memory_space<vmem_shared>>
      %dma_wait3A_309 = tpu.memref_squeeze %dma_wait3A_308 : memref<1x32xi32, #tpu.memory_space<vmem_shared>> -> memref<32xi32, #tpu.memory_space<vmem_shared>>
      tpu.wait_dma2 semaphore(%run_scoped3A_299 : memref<!tpu.dma_semaphore, #tpu.memory_space<semaphore_mem>>) src(%arg8 : memref<32xi32, #tpu.memory_space<vmem>>) dst(%dma_wait3A_309 : memref<32xi32, #tpu.memory_space<vmem_shared>>)
      tpu.yield
    }) : () -> ()
    %broadcast_in_dim3A_276 = arith.constant 0.000000e+00 : f32
    %broadcast_in_dim3A_277 = vector.broadcast %broadcast_in_dim3A_276 : f32 to vector<16xf32>
    %scan3A_278 = arith.constant 0 : i32
    %scan3A_279 = arith.constant 0 : i32
    %scan3A_280 = arith.constant 27 : i32
    %scan3A_281 = arith.addi %scan3A_279, %scan3A_280 : i32
    %scan3A_282 = arith.constant 1 : i32
    %scan3A_283 = scf.for %scan3A_299 = %scan3A_279 to %scan3A_281 step %scan3A_282 iter_args(%scan3A_300 = %scan3A_278) -> (i32)  : i32 {
      %mul3A_301 = arith.constant 16 : i32
      %mul3A_302 = arith.muli %scan3A_299, %mul3A_301 : i32
      %swap3A_303 = arith.index_cast %mul3A_302 : i32 to index
      %swap3A_304 = tpu.vector_load %arg12[%swap3A_303] {strides = array<i32>} : memref<432xf32, #tpu.memory_space<vmem>>, vector<16xf32>,
      tpu.vector_store %arg12[%swap3A_303], %broadcast_in_dim3A_277 {strides = array<i32>} : memref<432xf32, #tpu.memory_space<vmem>>, vector<16xf32>,
      %scan3A_305 = arith.constant 0 : i32
      scf.yield %scan3A_305 : i32
    }
    %scan3A_284 = arith.constant 27 : i32
    %mul3A_285 = arith.constant 27 : i32
    %mul3A_286 = arith.muli %mul3A_285, %arg1 : i32
    %add3A_287 = arith.constant 76 : i32
    %add3A_288 = arith.addi %add3A_287, %mul3A_286 : i32
    %mul3A_289 = arith.constant 16 : i32
    %mul3A_290 = arith.muli %add3A_288, %mul3A_289 : i32
    "tpu.region"() ({
      %run_scoped3A_299 = tpu.sem_alloc : memref<!tpu.dma_semaphore, #tpu.memory_space<semaphore_mem>>
      %dma_start3A = tpu.memref_slice %arg4[%mul3A_290] : memref<8128xf32, #tpu.memory_space<hbm>> -> memref<432xf32, #tpu.memory_space<hbm>>
      %dma_start3A_300 = tpu.memref_slice %arg4[%mul3A_290] : memref<8128xf32, #tpu.memory_space<hbm>> -> memref<432xf32, #tpu.memory_space<hbm>>
      tpu.enqueue_dma source(%arg12 : memref<432xf32, #tpu.memory_space<vmem>>) target(%dma_start3A_300 : memref<432xf32, #tpu.memory_space<hbm>>) target_semaphore(%run_scoped3A_299 : memref<!tpu.dma_semaphore, #tpu.memory_space<semaphore_mem>>)
      %dma_wait3A = tpu.memref_slice %arg4[%mul3A_290] : memref<8128xf32, #tpu.memory_space<hbm>> -> memref<432xf32, #tpu.memory_space<hbm>>
      %dma_wait3A_301 = tpu.memref_slice %arg4[%mul3A_290] : memref<8128xf32, #tpu.memory_space<hbm>> -> memref<432xf32, #tpu.memory_space<hbm>>
      tpu.wait_dma2 semaphore(%run_scoped3A_299 : memref<!tpu.dma_semaphore, #tpu.memory_space<semaphore_mem>>) src(%arg12 : memref<432xf32, #tpu.memory_space<vmem>>) dst(%dma_wait3A_301 : memref<432xf32, #tpu.memory_space<hbm>>)
      tpu.yield
    }) : () -> ()
    %barrier3A = arith.constant 0 : index
    tpu.barrier barrier_id(%barrier3A)
    %eq3A_291 = arith.constant 0 : i32
    %eq3A_292 = arith.cmpi eq, %arg1, %eq3A_291 : i32
    %eq3A_293 = arith.constant 0 : i32
    %eq3A_294 = arith.cmpi eq, %arg0, %eq3A_293 : i32
    %and3A_295 = arith.andi %eq3A_292, %eq3A_294 : i1
    %convert_element_type3A_296 = arith.extui %and3A_295 : i1 to i32
    %cond3A_297 = arith.constant 0 : i32
    %cond3A_298 = arith.cmpi ne, %convert_element_type3A_296, %cond3A_297 : i32
    scf.if %cond3A_298 {
      "tpu.region"() ({
        %run_scoped3A_584 = tpu.sem_alloc : memref<!tpu.dma_semaphore, #tpu.memory_space<semaphore_mem>>
        tpu.enqueue_dma source(%arg13 : memref<16x32xi32, #tpu.memory_space<vmem_shared>>) target(%arg10 : memref<16x32xi32, #tpu.memory_space<vmem>>) target_semaphore(%run_scoped3A_584 : memref<!tpu.dma_semaphore, #tpu.memory_space<semaphore_mem>>)
        tpu.wait_dma2 semaphore(%run_scoped3A_584 : memref<!tpu.dma_semaphore, #tpu.memory_space<semaphore_mem>>) src(%arg13 : memref<16x32xi32, #tpu.memory_space<vmem_shared>>) dst(%arg10 : memref<16x32xi32, #tpu.memory_space<vmem>>)
        tpu.yield
      }) : () -> ()
      "tpu.region"() ({
        %run_scoped3A_584 = tpu.sem_alloc : memref<!tpu.dma_semaphore, #tpu.memory_space<semaphore_mem>>
        %dma_start3A = arith.constant 0 : i32
        %dma_start3A_585 = tpu.memref_slice %arg9[%dma_start3A] : memref<16xf32, #tpu.memory_space<vmem>> -> memref<8xf32, #tpu.memory_space<vmem>>
        %dma_start3A_586 = arith.constant 0 : i32
        %dma_start3A_587 = tpu.memref_slice %arg9[%dma_start3A_586] : memref<16xf32, #tpu.memory_space<vmem>> -> memref<8xf32, #tpu.memory_space<vmem>>
        tpu.enqueue_dma source(%arg3 : memref<8xf32, #tpu.memory_space<hbm>>) target(%dma_start3A_587 : memref<8xf32, #tpu.memory_space<vmem>>) target_semaphore(%run_scoped3A_584 : memref<!tpu.dma_semaphore, #tpu.memory_space<semaphore_mem>>)
        %dma_wait3A = arith.constant 0 : i32
        %dma_wait3A_588 = tpu.memref_slice %arg9[%dma_wait3A] : memref<16xf32, #tpu.memory_space<vmem>> -> memref<8xf32, #tpu.memory_space<vmem>>
        %dma_wait3A_589 = arith.constant 0 : i32
        %dma_wait3A_590 = tpu.memref_slice %arg9[%dma_wait3A_589] : memref<16xf32, #tpu.memory_space<vmem>> -> memref<8xf32, #tpu.memory_space<vmem>>
        tpu.wait_dma2 semaphore(%run_scoped3A_584 : memref<!tpu.dma_semaphore, #tpu.memory_space<semaphore_mem>>) src(%arg3 : memref<8xf32, #tpu.memory_space<hbm>>) dst(%dma_wait3A_590 : memref<8xf32, #tpu.memory_space<vmem>>)
        tpu.yield
      }) : () -> ()
      %get3A_299 = arith.constant 0 : i32
      %get3A_300 = arith.index_cast %get3A_299 : i32 to index
      %get3A_301 = arith.constant 0 : index
      %get3A_302 = tpu.vector_load %arg10[%get3A_300, %get3A_301] {strides = array<i32>} : memref<16x32xi32, #tpu.memory_space<vmem>>, vector<16xi32>,
      %get3A_303 = arith.constant 0 : i32
      %get3A_304 = arith.index_cast %get3A_303 : i32 to index
      %get3A_305 = arith.constant 16 : index
      %get3A_306 = tpu.vector_load %arg10[%get3A_304, %get3A_305] {strides = array<i32>} : memref<16x32xi32, #tpu.memory_space<vmem>>, vector<16xi32>,
      %scan3A_307 = arith.constant 1 : i32
      %scan3A_308 = arith.constant 15 : i32
      %scan3A_309 = arith.addi %scan3A_307, %scan3A_308 : i32
      %scan3A_310 = arith.constant 1 : i32
      %scan3A_311:2 = scf.for %scan3A_584 = %scan3A_307 to %scan3A_309 step %scan3A_310 iter_args(%scan3A_585 = %get3A_302, %scan3A_586 = %get3A_306) -> (vector<16xi32>, vector<16xi32>)  : i32 {
        %get3A_587 = arith.index_cast %scan3A_584 : i32 to index
        %get3A_588 = arith.constant 0 : index
        %get3A_589 = tpu.vector_load %arg10[%get3A_587, %get3A_588] {strides = array<i32>} : memref<16x32xi32, #tpu.memory_space<vmem>>, vector<16xi32>,
        %add3A_590 = arith.addi %scan3A_585, %get3A_589 : vector<16xi32>
        %get3A_591 = arith.index_cast %scan3A_584 : i32 to index
        %get3A_592 = arith.constant 16 : index
        %get3A_593 = tpu.vector_load %arg10[%get3A_591, %get3A_592] {strides = array<i32>} : memref<16x32xi32, #tpu.memory_space<vmem>>, vector<16xi32>,
        %add3A_594 = arith.addi %scan3A_586, %get3A_593 : vector<16xi32>
        scf.yield %add3A_590, %add3A_594 : vector<16xi32>, vector<16xi32>
      }
      %scan3A_312 = arith.constant 15 : i32
      %broadcast_in_dim3A_313 = arith.constant true
      %broadcast_in_dim3A_314 = vector.broadcast %broadcast_in_dim3A_313 : i1 to vector<16xi1>
      %masked_cumsum3A = tpu.scan <sum>, %scan3A_311#0 masked %broadcast_in_dim3A_314 : vector<16xi32>, vector<16xi1> -> vector<16xi32>
      %slice3A = vector.extract_strided_slice %masked_cumsum3A {offsets = [15], sizes = [1], strides = [1]} : vector<16xi32> to vector<1xi32>
      %squeeze3A = vector.extract %slice3A[0] : i32 from vector<1xi32>
      %broadcast_in_dim3A_315 = arith.constant true
      %broadcast_in_dim3A_316 = vector.broadcast %broadcast_in_dim3A_315 : i1 to vector<16xi1>
      %masked_cumsum3A_317 = tpu.scan <sum>, %scan3A_311#1 masked %broadcast_in_dim3A_316 : vector<16xi32>, vector<16xi1> -> vector<16xi32>
      %slice3A_318 = vector.extract_strided_slice %masked_cumsum3A_317 {offsets = [15], sizes = [1], strides = [1]} : vector<16xi32> to vector<1xi32>
      %squeeze3A_319 = vector.extract %slice3A_318[0] : i32 from vector<1xi32>
      %get3A_320 = arith.constant 0 : index
      %get3A_321 = tpu.vector_load %arg7[%get3A_320] {strides = array<i32>} : memref<16xi32, #tpu.memory_space<vmem>>, vector<16xi32>,
      %slice3A_322 = vector.extract_strided_slice %get3A_321 {offsets = [0], sizes = [1], strides = [1]} : vector<16xi32> to vector<1xi32>
      %squeeze3A_323 = vector.extract %slice3A_322[0] : i32 from vector<1xi32>
      %get3A_324 = arith.constant 0 : index
      %get3A_325 = tpu.vector_load %arg9[%get3A_324] {strides = array<i32>} : memref<16xf32, #tpu.memory_space<vmem>>, vector<16xf32>,
      %bitcast3A = vector.bitcast %get3A_325 : vector<16xf32> to vector<16xi32>
      %slice3A_326 = vector.extract_strided_slice %bitcast3A {offsets = [0], sizes = [1], strides = [1]} : vector<16xi32> to vector<1xi32>
      %squeeze3A_327 = vector.extract %slice3A_326[0] : i32 from vector<1xi32>
      %slice3A_328 = vector.extract_strided_slice %bitcast3A {offsets = [1], sizes = [1], strides = [1]} : vector<16xi32> to vector<1xi32>
      %squeeze3A_329 = vector.extract %slice3A_328[0] : i32 from vector<1xi32>
      %add3A_330 = vector.broadcast %squeeze3A_327 : i32 to vector<16xi32>
      %add3A_331 = arith.addi %broadcast_in_dim3A_8, %add3A_330 : vector<16xi32>
      %bitcast3A_332 = vector.bitcast %add3A_331 : vector<16xi32> to vector<16xf32>
      %add3A_333 = vector.broadcast %squeeze3A_329 : i32 to vector<16xi32>
      %add3A_334 = arith.addi %broadcast_in_dim3A_8, %add3A_333 : vector<16xi32>
      %bitcast3A_335 = vector.bitcast %add3A_334 : vector<16xi32> to vector<16xf32>
      %gt3A = arith.cmpf ogt, %bitcast3A_332, %bitcast3A_335 : vector<16xf32>
      %convert_element_type3A_336 = arith.extui %gt3A : vector<16xi1> to vector<16xi32>
      %lt3A_337 = arith.cmpf olt, %bitcast3A_332, %bitcast3A_335 : vector<16xf32>
      %convert_element_type3A_338 = arith.extui %lt3A_337 : vector<16xi1> to vector<16xi32>
      %mul3A_339 = arith.constant 2 : i32
      %mul3A_340 = vector.broadcast %mul3A_339 : i32 to vector<16xi32>
      %mul3A_341 = arith.muli %convert_element_type3A_338, %mul3A_340 : vector<16xi32>
      %add3A_342 = arith.addi %convert_element_type3A_336, %mul3A_341 : vector<16xi32>
      %slice3A_343 = vector.extract_strided_slice %add3A_342 {offsets = [0], sizes = [1], strides = [1]} : vector<16xi32> to vector<1xi32>
      %squeeze3A_344 = vector.extract %slice3A_343[0] : i32 from vector<1xi32>
      %get3A_345 = arith.constant 0 : i32
      %get3A_346 = arith.index_cast %get3A_345 : i32 to index
      %get3A_347 = arith.constant 0 : index
      %get3A_348 = tpu.vector_load %arg6[%get3A_346, %get3A_347] {strides = array<i32>} : memref<4x16xi32, #tpu.memory_space<vmem>>, vector<16xi32>,
      %get3A_349 = arith.constant 1 : i32
      %get3A_350 = arith.index_cast %get3A_349 : i32 to index
      %get3A_351 = arith.constant 0 : index
      %get3A_352 = tpu.vector_load %arg6[%get3A_350, %get3A_351] {strides = array<i32>} : memref<4x16xi32, #tpu.memory_space<vmem>>, vector<16xi32>,
      %get3A_353 = arith.constant 2 : i32
      %get3A_354 = arith.index_cast %get3A_353 : i32 to index
      %get3A_355 = arith.constant 0 : index
      %get3A_356 = tpu.vector_load %arg6[%get3A_354, %get3A_355] {strides = array<i32>} : memref<4x16xi32, #tpu.memory_space<vmem>>, vector<16xi32>,
      %get3A_357 = arith.constant 3 : i32
      %get3A_358 = arith.index_cast %get3A_357 : i32 to index
      %get3A_359 = arith.constant 0 : index
      %get3A_360 = tpu.vector_load %arg6[%get3A_358, %get3A_359] {strides = array<i32>} : memref<4x16xi32, #tpu.memory_space<vmem>>, vector<16xi32>,
      %slice3A_361 = vector.extract_strided_slice %get3A_348 {offsets = [0], sizes = [1], strides = [1]} : vector<16xi32> to vector<1xi32>
      %squeeze3A_362 = vector.extract %slice3A_361[0] : i32 from vector<1xi32>
      %slice3A_363 = vector.extract_strided_slice %get3A_348 {offsets = [1], sizes = [1], strides = [1]} : vector<16xi32> to vector<1xi32>
      %squeeze3A_364 = vector.extract %slice3A_363[0] : i32 from vector<1xi32>
      %slice3A_365 = vector.extract_strided_slice %get3A_352 {offsets = [0], sizes = [1], strides = [1]} : vector<16xi32> to vector<1xi32>
      %squeeze3A_366 = vector.extract %slice3A_365[0] : i32 from vector<1xi32>
      %slice3A_367 = vector.extract_strided_slice %get3A_352 {offsets = [1], sizes = [1], strides = [1]} : vector<16xi32> to vector<1xi32>
      %squeeze3A_368 = vector.extract %slice3A_367[0] : i32 from vector<1xi32>
      %slice3A_369 = vector.extract_strided_slice %get3A_356 {offsets = [0], sizes = [1], strides = [1]} : vector<16xi32> to vector<1xi32>
      %squeeze3A_370 = vector.extract %slice3A_369[0] : i32 from vector<1xi32>
      %slice3A_371 = vector.extract_strided_slice %get3A_356 {offsets = [1], sizes = [1], strides = [1]} : vector<16xi32> to vector<1xi32>
      %squeeze3A_372 = vector.extract %slice3A_371[0] : i32 from vector<1xi32>
      %slice3A_373 = vector.extract_strided_slice %get3A_360 {offsets = [0], sizes = [1], strides = [1]} : vector<16xi32> to vector<1xi32>
      %squeeze3A_374 = vector.extract %slice3A_373[0] : i32 from vector<1xi32>
      %slice3A_375 = vector.extract_strided_slice %get3A_360 {offsets = [1], sizes = [1], strides = [1]} : vector<16xi32> to vector<1xi32>
      %squeeze3A_376 = vector.extract %slice3A_375[0] : i32 from vector<1xi32>
      %add3A_377 = vector.broadcast %squeeze3A_362 : i32 to vector<16xi32>
      %add3A_378 = arith.addi %broadcast_in_dim3A_8, %add3A_377 : vector<16xi32>
      %bitcast3A_379 = vector.bitcast %add3A_378 : vector<16xi32> to vector<16xf32>
      %add3A_380 = vector.broadcast %squeeze3A_364 : i32 to vector<16xi32>
      %add3A_381 = arith.addi %broadcast_in_dim3A_8, %add3A_380 : vector<16xi32>
      %bitcast3A_382 = vector.bitcast %add3A_381 : vector<16xi32> to vector<16xf32>
      %add3A_383 = vector.broadcast %squeeze3A_366 : i32 to vector<16xi32>
      %add3A_384 = arith.addi %broadcast_in_dim3A_8, %add3A_383 : vector<16xi32>
      %bitcast3A_385 = vector.bitcast %add3A_384 : vector<16xi32> to vector<16xf32>
      %add3A_386 = vector.broadcast %squeeze3A_368 : i32 to vector<16xi32>
      %add3A_387 = arith.addi %broadcast_in_dim3A_8, %add3A_386 : vector<16xi32>
      %bitcast3A_388 = vector.bitcast %add3A_387 : vector<16xi32> to vector<16xf32>
      %add3A_389 = vector.broadcast %squeeze3A_370 : i32 to vector<16xi32>
      %add3A_390 = arith.addi %broadcast_in_dim3A_8, %add3A_389 : vector<16xi32>
      %bitcast3A_391 = vector.bitcast %add3A_390 : vector<16xi32> to vector<16xf32>
      %add3A_392 = vector.broadcast %squeeze3A_372 : i32 to vector<16xi32>
      %add3A_393 = arith.addi %broadcast_in_dim3A_8, %add3A_392 : vector<16xi32>
      %bitcast3A_394 = vector.bitcast %add3A_393 : vector<16xi32> to vector<16xf32>
      %add3A_395 = vector.broadcast %squeeze3A_374 : i32 to vector<16xi32>
      %add3A_396 = arith.addi %broadcast_in_dim3A_8, %add3A_395 : vector<16xi32>
      %bitcast3A_397 = vector.bitcast %add3A_396 : vector<16xi32> to vector<16xf32>
      %add3A_398 = vector.broadcast %squeeze3A_376 : i32 to vector<16xi32>
      %add3A_399 = arith.addi %broadcast_in_dim3A_8, %add3A_398 : vector<16xi32>
      %bitcast3A_400 = vector.bitcast %add3A_399 : vector<16xi32> to vector<16xf32>
      %sub3A_401 = arith.subf %bitcast3A_391, %bitcast3A_379 : vector<16xf32>
      %sub3A_402 = arith.subf %bitcast3A_397, %bitcast3A_385 : vector<16xf32>
      %mul3A_403 = arith.mulf %sub3A_401, %sub3A_402 : vector<16xf32>
      %sub3A_404 = arith.subf %bitcast3A_394, %bitcast3A_382 : vector<16xf32>
      %sub3A_405 = arith.subf %bitcast3A_400, %bitcast3A_388 : vector<16xf32>
      %mul3A_406 = arith.mulf %sub3A_404, %sub3A_405 : vector<16xf32>
      %add3A_407 = arith.addf %mul3A_403, %mul3A_403 : vector<16xf32>
      %sub3A_408 = arith.subf %add3A_407, %mul3A_403 : vector<16xf32>
      %add3A_409 = arith.constant 9.99999971E-10 : f32
      %add3A_410 = vector.broadcast %add3A_409 : f32 to vector<16xf32>
      %add3A_411 = arith.addf %sub3A_408, %add3A_410 : vector<16xf32>
      %div3A_412 = arith.divf %mul3A_403, %add3A_411 : vector<16xf32>
      %gt3A_413 = arith.constant 0.699999988 : f32
      %gt3A_414 = vector.broadcast %gt3A_413 : f32 to vector<16xf32>
      %gt3A_415 = arith.cmpf ogt, %div3A_412, %gt3A_414 : vector<16xf32>
      %convert_element_type3A_416 = arith.extui %gt3A_415 : vector<16xi1> to vector<16xi32>
      %add3A_417 = arith.addf %mul3A_406, %mul3A_406 : vector<16xf32>
      %sub3A_418 = arith.subf %add3A_417, %mul3A_406 : vector<16xf32>
      %add3A_419 = arith.constant 9.99999971E-10 : f32
      %add3A_420 = vector.broadcast %add3A_419 : f32 to vector<16xf32>
      %add3A_421 = arith.addf %sub3A_418, %add3A_420 : vector<16xf32>
      %div3A_422 = arith.divf %mul3A_406, %add3A_421 : vector<16xf32>
      %gt3A_423 = arith.constant 0.699999988 : f32
      %gt3A_424 = vector.broadcast %gt3A_423 : f32 to vector<16xf32>
      %gt3A_425 = arith.cmpf ogt, %div3A_422, %gt3A_424 : vector<16xf32>
      %convert_element_type3A_426 = arith.extui %gt3A_425 : vector<16xi1> to vector<16xi32>
      %min3A_427 = arith.minimumf %bitcast3A_391, %bitcast3A_394 : vector<16xf32>
      %max3A_428 = arith.maximumf %bitcast3A_379, %bitcast3A_382 : vector<16xf32>
      %sub3A_429 = arith.subf %min3A_427, %max3A_428 : vector<16xf32>
      %max3A_430 = arith.constant 0.000000e+00 : f32
      %max3A_431 = vector.broadcast %max3A_430 : f32 to vector<16xf32>
      %max3A_432 = arith.maximumf %sub3A_429, %max3A_431 : vector<16xf32>
      %min3A_433 = arith.minimumf %bitcast3A_397, %bitcast3A_400 : vector<16xf32>
      %max3A_434 = arith.maximumf %bitcast3A_385, %bitcast3A_388 : vector<16xf32>
      %sub3A_435 = arith.subf %min3A_433, %max3A_434 : vector<16xf32>
      %max3A_436 = arith.constant 0.000000e+00 : f32
      %max3A_437 = vector.broadcast %max3A_436 : f32 to vector<16xf32>
      %max3A_438 = arith.maximumf %sub3A_435, %max3A_437 : vector<16xf32>
      %mul3A_439 = arith.mulf %max3A_432, %max3A_438 : vector<16xf32>
      %add3A_440 = arith.addf %mul3A_403, %mul3A_406 : vector<16xf32>
      %sub3A_441 = arith.subf %add3A_440, %mul3A_439 : vector<16xf32>
      %add3A_442 = arith.constant 9.99999971E-10 : f32
      %add3A_443 = vector.broadcast %add3A_442 : f32 to vector<16xf32>
      %add3A_444 = arith.addf %sub3A_441, %add3A_443 : vector<16xf32>
      %div3A_445 = arith.divf %mul3A_439, %add3A_444 : vector<16xf32>
      %gt3A_446 = arith.constant 0.699999988 : f32
      %gt3A_447 = vector.broadcast %gt3A_446 : f32 to vector<16xf32>
      %gt3A_448 = arith.cmpf ogt, %div3A_445, %gt3A_447 : vector<16xf32>
      %convert_element_type3A_449 = arith.extui %gt3A_448 : vector<16xi1> to vector<16xi32>
      %slice3A_450 = vector.extract_strided_slice %convert_element_type3A_416 {offsets = [0], sizes = [1], strides = [1]} : vector<16xi32> to vector<1xi32>
      %squeeze3A_451 = vector.extract %slice3A_450[0] : i32 from vector<1xi32>
      %slice3A_452 = vector.extract_strided_slice %convert_element_type3A_426 {offsets = [0], sizes = [1], strides = [1]} : vector<16xi32> to vector<1xi32>
      %squeeze3A_453 = vector.extract %slice3A_452[0] : i32 from vector<1xi32>
      %slice3A_454 = vector.extract_strided_slice %convert_element_type3A_449 {offsets = [0], sizes = [1], strides = [1]} : vector<16xi32> to vector<1xi32>
      %squeeze3A_455 = vector.extract %slice3A_454[0] : i32 from vector<1xi32>
      %eq3A_456 = arith.constant 1 : i32
      %eq3A_457 = arith.cmpi eq, %squeeze3A_344, %eq3A_456 : i32
      %eq3A_458 = arith.constant 2 : i32
      %eq3A_459 = arith.cmpi eq, %squeeze3A_344, %eq3A_458 : i32
      %jit3A_460 = arith.constant 1 : i32
      %select_n3A_461 = arith.select %eq3A_459, %jit3A_460, %squeeze3A_323 : i32
      %jit3A_462 = arith.constant 0 : i32
      %select_n3A_463 = arith.select %eq3A_457, %jit3A_462, %select_n3A_461 : i32
      %eq3A_464 = arith.constant 1 : i32
      %eq3A_465 = arith.cmpi eq, %squeeze3A_344, %eq3A_464 : i32
      %sub3A_466 = arith.constant 22500 : i32
      %sub3A_467 = arith.subi %sub3A_466, %squeeze3A : i32
      %min3A_468 = arith.constant 6000 : i32
      %min3A_469 = arith.minsi %sub3A_467, %min3A_468 : i32
      %eq3A_470 = arith.constant 2 : i32
      %eq3A_471 = arith.cmpi eq, %squeeze3A_344, %eq3A_470 : i32
      %min3A_472 = arith.constant 6000 : i32
      %min3A_473 = arith.minsi %squeeze3A, %min3A_472 : i32
      %eq3A_474 = arith.constant 1 : i32
      %eq3A_475 = arith.cmpi eq, %squeeze3A_323, %eq3A_474 : i32
      %sub3A_476 = arith.constant 6000 : i32
      %sub3A_477 = arith.subi %sub3A_476, %squeeze3A_319 : i32
      %select_n3A_478 = arith.select %eq3A_475, %squeeze3A_319, %sub3A_477 : i32
      %select_n3A_479 = arith.select %eq3A_471, %min3A_473, %select_n3A_478 : i32
      %select_n3A_480 = arith.select %eq3A_465, %min3A_469, %select_n3A_479 : i32
      %sub3A_481 = arith.constant 6000 : i32
      %sub3A_482 = arith.subi %sub3A_481, %select_n3A_480 : i32
      %eq3A_483 = arith.constant 1 : i32
      %eq3A_484 = arith.cmpi eq, %select_n3A_463, %eq3A_483 : i32
      %select_n3A_485 = arith.select %eq3A_484, %squeeze3A_453, %squeeze3A_451 : i32
      %eq3A_486 = arith.constant 1 : i32
      %eq3A_487 = arith.cmpi eq, %select_n3A_463, %eq3A_486 : i32
      %select_n3A_488 = arith.select %eq3A_487, %squeeze3A_451, %squeeze3A_453 : i32
      %eq3A_489 = arith.constant 1 : i32
      %eq3A_490 = arith.cmpi eq, %select_n3A_485, %eq3A_489 : i32
      %min3A_491 = arith.constant 1 : i32
      %min3A_492 = arith.minsi %min3A_491, %select_n3A_480 : i32
      %min3A_493 = arith.constant 300 : i32
      %min3A_494 = arith.minsi %select_n3A_480, %min3A_493 : i32
      %select_n3A_495 = arith.select %eq3A_490, %min3A_492, %min3A_494 : i32
      %eq3A_496 = arith.constant 1 : i32
      %eq3A_497 = arith.cmpi eq, %select_n3A_488, %eq3A_496 : i32
      %min3A_498 = arith.constant 1 : i32
      %min3A_499 = arith.minsi %min3A_498, %sub3A_482 : i32
      %select_n3A_500 = arith.select %eq3A_497, %min3A_499, %sub3A_482 : i32
      %sub3A_501 = arith.constant 300 : i32
      %sub3A_502 = arith.subi %sub3A_501, %select_n3A_495 : i32
      %max3A_503 = arith.constant 0 : i32
      %max3A_504 = arith.maxsi %sub3A_502, %max3A_503 : i32
      %eq3A_505 = arith.constant 1 : i32
      %eq3A_506 = arith.cmpi eq, %squeeze3A_455, %eq3A_505 : i32
      %gt3A_507 = arith.constant 0 : i32
      %gt3A_508 = arith.cmpi sgt, %select_n3A_495, %gt3A_507 : i32
      %and3A_509 = arith.andi %eq3A_506, %gt3A_508 : i1
      %min3A_510 = arith.minsi %select_n3A_500, %max3A_504 : i32
      %jit3A_511 = arith.constant 0 : i32
      %select_n3A_512 = arith.select %and3A_509, %jit3A_511, %min3A_510 : i32
      %add3A_513 = arith.addi %select_n3A_495, %select_n3A_512 : i32
      %and3A_514 = arith.constant 3 : i32
      %and3A_515 = vector.broadcast %and3A_514 : i32 to vector<16xi32>
      %and3A_516 = arith.andi %iota3A, %and3A_515 : vector<16xi32>
      %eq3A_517 = arith.constant 1 : i32
      %eq3A_518 = arith.cmpi eq, %select_n3A_463, %eq3A_517 : i32
      %select_n3A_519 = arith.select %eq3A_518, %squeeze3A_364, %squeeze3A_362 : i32
      %eq3A_520 = arith.constant 1 : i32
      %eq3A_521 = arith.cmpi eq, %select_n3A_463, %eq3A_520 : i32
      %select_n3A_522 = arith.select %eq3A_521, %squeeze3A_368, %squeeze3A_366 : i32
      %eq3A_523 = arith.constant 1 : i32
      %eq3A_524 = arith.cmpi eq, %select_n3A_463, %eq3A_523 : i32
      %select_n3A_525 = arith.select %eq3A_524, %squeeze3A_372, %squeeze3A_370 : i32
      %eq3A_526 = arith.constant 1 : i32
      %eq3A_527 = arith.cmpi eq, %select_n3A_463, %eq3A_526 : i32
      %select_n3A_528 = arith.select %eq3A_527, %squeeze3A_376, %squeeze3A_374 : i32
      %eq3A_529 = arith.constant 1 : i32
      %eq3A_530 = arith.cmpi eq, %select_n3A_463, %eq3A_529 : i32
      %select_n3A_531 = arith.select %eq3A_530, %squeeze3A_362, %squeeze3A_364 : i32
      %eq3A_532 = arith.constant 1 : i32
      %eq3A_533 = arith.cmpi eq, %select_n3A_463, %eq3A_532 : i32
      %select_n3A_534 = arith.select %eq3A_533, %squeeze3A_366, %squeeze3A_368 : i32
      %eq3A_535 = arith.constant 1 : i32
      %eq3A_536 = arith.cmpi eq, %select_n3A_463, %eq3A_535 : i32
      %select_n3A_537 = arith.select %eq3A_536, %squeeze3A_370, %squeeze3A_372 : i32
      %eq3A_538 = arith.constant 1 : i32
      %eq3A_539 = arith.cmpi eq, %select_n3A_463, %eq3A_538 : i32
      %select_n3A_540 = arith.select %eq3A_539, %squeeze3A_374, %squeeze3A_376 : i32
      %eq3A_541 = arith.constant 0 : i32
      %eq3A_542 = vector.broadcast %eq3A_541 : i32 to vector<16xi32>
      %eq3A_543 = arith.cmpi eq, %and3A_516, %eq3A_542 : vector<16xi32>
      %eq3A_544 = arith.constant 1 : i32
      %eq3A_545 = vector.broadcast %eq3A_544 : i32 to vector<16xi32>
      %eq3A_546 = arith.cmpi eq, %and3A_516, %eq3A_545 : vector<16xi32>
      %eq3A_547 = arith.constant 2 : i32
      %eq3A_548 = vector.broadcast %eq3A_547 : i32 to vector<16xi32>
      %eq3A_549 = arith.cmpi eq, %and3A_516, %eq3A_548 : vector<16xi32>
      %broadcast_in_dim3A_550 = vector.broadcast %select_n3A_525 : i32 to vector<16xi32>
      %broadcast_in_dim3A_551 = vector.broadcast %select_n3A_528 : i32 to vector<16xi32>
      %select_n3A_552 = arith.select %eq3A_549, %broadcast_in_dim3A_550, %broadcast_in_dim3A_551 : vector<16xi1>, vector<16xi32>
      %broadcast_in_dim3A_553 = vector.broadcast %select_n3A_522 : i32 to vector<16xi32>
      %select_n3A_554 = arith.select %eq3A_546, %broadcast_in_dim3A_553, %select_n3A_552 : vector<16xi1>, vector<16xi32>
      %broadcast_in_dim3A_555 = vector.broadcast %select_n3A_519 : i32 to vector<16xi32>
      %select_n3A_556 = arith.select %eq3A_543, %broadcast_in_dim3A_555, %select_n3A_554 : vector<16xi1>, vector<16xi32>
      %bitcast3A_557 = vector.bitcast %select_n3A_556 : vector<16xi32> to vector<16xf32>
      %eq3A_558 = arith.constant 0 : i32
      %eq3A_559 = vector.broadcast %eq3A_558 : i32 to vector<16xi32>
      %eq3A_560 = arith.cmpi eq, %and3A_516, %eq3A_559 : vector<16xi32>
      %eq3A_561 = arith.constant 1 : i32
      %eq3A_562 = vector.broadcast %eq3A_561 : i32 to vector<16xi32>
      %eq3A_563 = arith.cmpi eq, %and3A_516, %eq3A_562 : vector<16xi32>
      %eq3A_564 = arith.constant 2 : i32
      %eq3A_565 = vector.broadcast %eq3A_564 : i32 to vector<16xi32>
      %eq3A_566 = arith.cmpi eq, %and3A_516, %eq3A_565 : vector<16xi32>
      %broadcast_in_dim3A_567 = vector.broadcast %select_n3A_537 : i32 to vector<16xi32>
      %broadcast_in_dim3A_568 = vector.broadcast %select_n3A_540 : i32 to vector<16xi32>
      %select_n3A_569 = arith.select %eq3A_566, %broadcast_in_dim3A_567, %broadcast_in_dim3A_568 : vector<16xi1>, vector<16xi32>
      %broadcast_in_dim3A_570 = vector.broadcast %select_n3A_534 : i32 to vector<16xi32>
      %select_n3A_571 = arith.select %eq3A_563, %broadcast_in_dim3A_570, %select_n3A_569 : vector<16xi1>, vector<16xi32>
      %broadcast_in_dim3A_572 = vector.broadcast %select_n3A_531 : i32 to vector<16xi32>
      %select_n3A_573 = arith.select %eq3A_560, %broadcast_in_dim3A_572, %select_n3A_571 : vector<16xi1>, vector<16xi32>
      %bitcast3A_574 = vector.bitcast %select_n3A_573 : vector<16xi32> to vector<16xf32>
      %shift_right_arithmetic3A = arith.constant 2 : i32
      %shift_right_arithmetic3A_575 = vector.broadcast %shift_right_arithmetic3A : i32 to vector<16xi32>
      %shift_right_arithmetic3A_576 = arith.shrsi %iota3A, %shift_right_arithmetic3A_575 : vector<16xi32>
      %scan3A_577 = arith.constant 0 : i32
      %scan3A_578 = arith.constant 0 : i32
      %scan3A_579 = arith.constant 76 : i32
      %scan3A_580 = arith.addi %scan3A_578, %scan3A_579 : i32
      %scan3A_581 = arith.constant 1 : i32
      %scan3A_582 = scf.for %scan3A_584 = %scan3A_578 to %scan3A_580 step %scan3A_581 iter_args(%scan3A_585 = %scan3A_577) -> (i32)  : i32 {
        %mul3A_586 = arith.constant 4 : i32
        %mul3A_587 = arith.muli %scan3A_584, %mul3A_586 : i32
        %add3A_588 = vector.broadcast %mul3A_587 : i32 to vector<16xi32>
        %add3A_589 = arith.addi %shift_right_arithmetic3A_576, %add3A_588 : vector<16xi32>
        %lt3A_590 = vector.broadcast %select_n3A_495 : i32 to vector<16xi32>
        %lt3A_591 = arith.cmpi slt, %add3A_589, %lt3A_590 : vector<16xi32>
        %lt3A_592 = vector.broadcast %add3A_513 : i32 to vector<16xi32>
        %lt3A_593 = arith.cmpi slt, %add3A_589, %lt3A_592 : vector<16xi32>
        %select_n3A_594 = arith.select %lt3A_593, %bitcast3A_574, %broadcast_in_dim3A_277 : vector<16xi1>, vector<16xf32>
        %select_n3A_595 = arith.select %lt3A_591, %bitcast3A_557, %select_n3A_594 : vector<16xi1>, vector<16xf32>
        %mul3A_596 = arith.constant 16 : i32
        %mul3A_597 = arith.muli %scan3A_584, %mul3A_596 : i32
        %swap3A_598 = arith.index_cast %mul3A_597 : i32 to index
        %swap3A_599 = tpu.vector_load %arg11[%swap3A_598] {strides = array<i32>} : memref<1216xf32, #tpu.memory_space<vmem>>, vector<16xf32>,
        tpu.vector_store %arg11[%swap3A_598], %select_n3A_595 {strides = array<i32>} : memref<1216xf32, #tpu.memory_space<vmem>>, vector<16xf32>,
        %scan3A_600 = arith.constant 0 : i32
        scf.yield %scan3A_600 : i32
      }
      %scan3A_583 = arith.constant 76 : i32
      "tpu.region"() ({
        %run_scoped3A_584 = tpu.sem_alloc : memref<!tpu.dma_semaphore, #tpu.memory_space<semaphore_mem>>
        %dma_start3A = arith.constant 0 : i32
        %dma_start3A_585 = tpu.memref_slice %arg4[%dma_start3A] : memref<8128xf32, #tpu.memory_space<hbm>> -> memref<1216xf32, #tpu.memory_space<hbm>>
        %dma_start3A_586 = arith.constant 0 : i32
        %dma_start3A_587 = tpu.memref_slice %arg4[%dma_start3A_586] : memref<8128xf32, #tpu.memory_space<hbm>> -> memref<1216xf32, #tpu.memory_space<hbm>>
        tpu.enqueue_dma source(%arg11 : memref<1216xf32, #tpu.memory_space<vmem>>) target(%dma_start3A_587 : memref<1216xf32, #tpu.memory_space<hbm>>) target_semaphore(%run_scoped3A_584 : memref<!tpu.dma_semaphore, #tpu.memory_space<semaphore_mem>>)
        %dma_wait3A = arith.constant 0 : i32
        %dma_wait3A_588 = tpu.memref_slice %arg4[%dma_wait3A] : memref<8128xf32, #tpu.memory_space<hbm>> -> memref<1216xf32, #tpu.memory_space<hbm>>
        %dma_wait3A_589 = arith.constant 0 : i32
        %dma_wait3A_590 = tpu.memref_slice %arg4[%dma_wait3A_589] : memref<8128xf32, #tpu.memory_space<hbm>> -> memref<1216xf32, #tpu.memory_space<hbm>>
        tpu.wait_dma2 semaphore(%run_scoped3A_584 : memref<!tpu.dma_semaphore, #tpu.memory_space<semaphore_mem>>) src(%arg11 : memref<1216xf32, #tpu.memory_space<vmem>>) dst(%dma_wait3A_590 : memref<1216xf32, #tpu.memory_space<hbm>>)
        tpu.yield
      }) : () -> ()
    } else {
    }
    return
  }
}

</mosaic_0001>

<sc_bundles>
// kernel: _proposal_sc.3.cloned.1.call-start
scs
__scs_entry_jumppad:
0x0: {  	(pc) =	sbr.rel $0x88, $3  }
0x1: {  	(tag) =	ssettag $0x0;
	lr =	simm.s32 $0x1  }
0x2: {  	[smem:$0x3F9F] =	sst lr;
	_ =	strace $0xD0000000  }
0x3: {  	_ = 	snop  }
0x4: {  	_ = 	snop  }
0x5: {  	_ = 	snop  }
0x6: {  	_ = 	snop  }
0x7: {  	_ = 	snop  }
__scs_overlays_trampoline_lowered:
0x8: {  	[smem:$0x3FAE] =	sst s0  }
0x9: {  	[smem:$0x3FAF] =	sst s1  }
0xa: {  	[smem:$0x3FB0] =	sst s2  }
0xb: {  	[smem:$0x3FB1] =	sst s3  }
0xc: {  	[smem:$0x3FB2] =	sst s4  }
0xd: {  	[smem:$0x3FB3] =	sst s5  }
0xe: {  	[smem:$0x3FB4] =	sst s6  }
0xf: {  	[smem:$0x3FB5] =	sst s7  }
0x10: {  	[smem:$0x3FB6] =	sst s8  }
0x11: {  	[smem:$0x3FB7] =	sst s9;
	s0 =	simm.s32 @!p0 $0x0  }
0x12: {  	s1 =	sld [smem:$0x3F9D];
	s0 =	simm.s32 @p0 $0x1  }
0x13: {  	[smem:$0x3FB8] =	sst s0;
	s0 =	simm.s32 @!p1 $0x0  }
0x14: {  	s2 =	sld [smem:$0x3F9C];
	s0 =	simm.s32 @p1 $0x1  }
0x15: {  	[smem:$0x3FB9] =	sst s0;
	s0 =	simm.s32 @!p2 $0x0  }
0x16: {  	s3 =	sld [smem:$0x3FDB];
	s0 =	simm.s32 @p2 $0x1  }
0x17: {  	s4 =	simm.s32 $0x1BF5;
	[smem:$0x3FBB] =	sst s0  }
0x18: {  	s0 =	sld [smem:$0x3F9E];
	_ =	swait.ge [sflag:s4], $0x0  }
0x19: {  	s7 =	sld [smem:$0x3F9F]  }
0x1a: {  	s8 =	sadd.s32 $0xFFFFE003, lr  }
0x1b: {  	s9 =	sadd.s32 $0xFFFFFEF7, lr;
	s5 =	simm.s32 $0xFFFFFFFF;
	p2 =	slt.u32 s8, $0xFFFFF086  }
0x1c: {  	p1 =	slt.u32 s9, $0xF7A;
	s5 =	simm.s32 @!p2 $0x0  }
0x1d: {  	s5 =	simm.s32 @p1 $0x1;
	p0 =	seq.s32 s7, s2  }
0x1e: {  	s7 =	smul.u32 @!p0 $0xF7A, s2;
	p2 =	seq.s32 @!p0 s5, $0x0  }
0x1f: {  	s9 =	smul.u32 $0xF7A, s1;
	s8 =	simm.s32 @!p0 $0x1BF5;
	p2 =	por !p2, p0  }
0x20: {  	[sflag:s8] =	ssyncset.s32 @!p0 $0xFFFFF086;
	s6 =	sadd.s32 @!p0 s3, s7;
	s7 =	simm.s32 @!p0 $0x108  }
0x21: {  	s3 =	sadd.s32 s3, s9;
	s6 =	sadd.s32 @!p0 $0x88, s6;
	s7 =	simm.s32 @p2 $0x1082  }
0x22: {  	[simem:s7], [sflag:s8] =	dma.local @!p0 [hbm:s6], $0xF7A  }
0x23: {  	s9 =	sor.u32 $0xD0000000, s2;
	s6 =	simm.s32 $0x108;
	_ =	swait.ge @!p0 [sflag:s8], $0x0  }
0x24: {  	s3 =	sadd.s32 $0x88, s3;
	s6 =	simm.s32 @!p1 $0x1082;
	[sflag:s4] =	ssyncset.s32 $0xFFFFF086  }
0x25: {  	[simem:s6], [sflag:s4] =	dma.local [hbm:s3], $0xF7A  }
0x26: {  	[smem:$0x3F9F] =	sst s1;
	(tag) =	ssettag s2;
	_ =	strace s9  }
0x27: {  	s1 =	sld [smem:$0x3FAF]  }
0x28: {  	s2 =	sld [smem:$0x3FB0]  }
0x29: {  	s4 =	sld [smem:$0x3FB2]  }
0x2a: {  	p0 =	seq.s32 s5, $0x0;
	s5 =	sld [smem:$0x3FB3]  }
0x2b: {  	s6 =	sld [smem:$0x3FB4]  }
0x2c: {  	s7 =	sld [smem:$0x3FB5]  }
0x2d: {  	s3 =	simm.s32 $0x108;
	s8 =	sld [smem:$0x3FB6]  }
0x2e: {  	s3 =	simm.s32 @!p0 $0x1082;
	s9 =	sld [smem:$0x3FB7]  }
0x2f: {  	lr =	sadd.s32 s0, s3;
	s0 =	sld [smem:$0x3FAE]  }
0x30: {  	s3 =	sld [smem:$0x3FB1]  }
0x31: {  	[smem:$0x3FBA] =	sst s10  }
0x32: {  	s10 =	sld [smem:$0x3FB8];
	_ =	sdelay $0x3  }
0x33: {  	p0 =	seq.s32 s10, $0x1;
	s10 =	sld [smem:$0x3FBA];
	_ =	sdelay $0x3  }
0x34: {  	[smem:$0x3FBA] =	sst s10  }
0x35: {  	s10 =	sld [smem:$0x3FB9];
	_ =	sdelay $0x3  }
0x36: {  	p1 =	seq.s32 s10, $0x1;
	s10 =	sld [smem:$0x3FBA];
	_ =	sdelay $0x3  }
0x37: {  	[smem:$0x3FBA] =	sst s10  }
0x38: {  	s10 =	sld [smem:$0x3FBB]  }
0x39: {  	_ = 	snop;
	(pc) =	sbr.ind lr, $3  }
0x3a: {  	_ = 	snop  }
0x3b: {  	_ = 	snop  }
0x3c: {  	p2 =	seq.s32 s10, $0x1;
	s10 =	sld [smem:$0x3FBA]  }
0x3d: {  	_ =	shalt  }
0x3e: {  	_ =	shalt  }
0x3f: {  	_ =	shalt  }
0x40: {  	_ =	shalt  }
0x41: {  	_ =	shalt  }
0x42: {  	_ =	shalt  }
0x43: {  	_ =	shalt  }
0x44: {  	_ =	shalt  }
0x45: {  	_ =	shalt  }
0x46: {  	_ =	shalt  }
0x47: {  	_ =	shalt  }
0x48: {  	_ =	shalt  }
0x49: {  	_ =	shalt  }
0x4a: {  	_ =	shalt  }
0x4b: {  	_ =	shalt  }
0x4c: {  	_ =	shalt  }
0x4d: {  	_ =	shalt  }
0x4e: {  	_ =	shalt  }
0x4f: {  	_ =	shalt  }
0x50: {  	_ =	shalt  }
0x51: {  	_ =	shalt  }
0x52: {  	_ =	shalt  }
0x53: {  	_ =	shalt  }
0x54: {  	_ =	shalt  }
0x55: {  	_ =	shalt  }
0x56: {  	_ =	shalt  }
0x57: {  	_ =	shalt  }
0x58: {  	_ =	shalt  }
0x59: {  	_ =	shalt  }
0x5a: {  	_ =	shalt  }
0x5b: {  	_ =	shalt  }
0x5c: {  	_ =	shalt  }
0x5d: {  	_ =	shalt  }
0x5e: {  	_ =	shalt  }
0x5f: {  	_ =	shalt  }
0x60: {  	_ =	shalt  }
0x61: {  	_ =	shalt  }
0x62: {  	_ =	shalt  }
0x63: {  	_ =	shalt  }
0x64: {  	_ =	shalt  }
0x65: {  	_ =	shalt  }
0x66: {  	_ =	shalt  }
0x67: {  	_ =	shalt  }
0x68: {  	_ =	shalt  }
0x69: {  	_ =	shalt  }
0x6a: {  	_ =	shalt  }
0x6b: {  	_ =	shalt  }
0x6c: {  	_ =	shalt  }
0x6d: {  	_ =	shalt  }
0x6e: {  	_ =	shalt  }
0x6f: {  	_ =	shalt  }
0x70: {  	_ =	shalt  }
0x71: {  	_ =	shalt  }
0x72: {  	_ =	shalt  }
0x73: {  	_ =	shalt  }
0x74: {  	_ =	shalt  }
0x75: {  	_ =	shalt  }
0x76: {  	_ =	shalt  }
0x77: {  	_ =	shalt  }
0x78: {  	_ =	shalt  }
0x79: {  	_ =	shalt  }
0x7a: {  	_ =	shalt  }
0x7b: {  	_ =	shalt  }
0x7c: {  	_ =	shalt  }
0x7d: {  	_ =	shalt  }
0x7e: {  	_ =	shalt  }
0x7f: {  	_ =	shalt  }
0x80: {  	_ =	shalt  }
0x81: {  	_ =	shalt  }
0x82: {  	_ =	shalt  }
0x83: {  	_ =	shalt  }
0x84: {  	_ =	shalt  }
0x85: {  	_ =	shalt  }
0x86: {  	_ =	shalt  }
0x87: {  	_ =	shalt  }
.Lfunc_end0:
.L_simem_size_0:
called_computation_lowered:
.L_overlay_start_0:
0x88: {  	s0 =	sld [smem:$0x3FD9]  }
0x89: {  	s1 =	sld [smem:$0x3FFE];
	_ =	sdelay $0x3  }
0x8a: {  	s0 =	sadd.s32 s1, s0  }
0x8b: {  	[smem:$0x3FC6] =	sst s0  }
0x8c: {  	_ = 	snop  }
0x8d: {  	s0 =	sld [smem:$0x3FC9]  }
0x8e: {  	s17 =	sld [smem:$0x3FC8]  }
0x8f: {  	s2 =	sld [smem:$0x3FD0];
	(tm) =	ssettm $0x1  }
0x90: {  	s3 =	sld [smem:$0x3FFB];
	_ =	sdelay $0x3  }
0x91: {  	_ =	strace s3  }
0x92: {  	s3 =	sld [smem:$0x3FFC];
	_ =	sdelay $0x3  }
0x93: {  	_ =	strace s3  }
0x94: {  	s3 =	sld [smem:$0x3FFD];
	_ =	sdelay $0x3  }
0x95: {  	_ =	strace s3  }
0x96: {  	_ =	strace $0x8FFFFFFF  }
0x97: {  	s18 =	sld [smem:$0x3FDB];
	_ =	sdelay $0x1  }
0x98: {  	s4 =	simm.s32 $_scs_section_size  }
0x99: {  	s5 =	simm.s32 $_size__tile_overlayer_lowered;
	s6 =	simm.s32 $_tile_overlayer_lowered  }
0x9a: {  	s21 =	simm.s32 $0x1BFF;
	s20 =	sshll.u32 s6, $0x1;
	s3 =	sadd.s32 s4, s18  }
0x9b: {  	s7 =	simm.s32 $0x0;
	s19 =	sshll.u32 s5, $0x1;
	s5 =	sadd.s32 s20, s3  }
0x9c: {  	[timem:s7], [sflag:s21] =	dma.local [hbm:s5], s19  }
0x9d: {  	_ =	swait.ge [sflag:s21], s19  }
0x9e: {  	s4 =	ssub.s32 $0x0, s19;
	[sflag:s21] =	ssyncset.done $0x0  }
0x9f: {  	[sflag:s21] =	ssyncadd.s32 s4;
	_ =	sdelay $0x1  }
0xa0: {  	s22 =	simm.s32 $0x1B8B  }
0xa1: {  	_ =	swait.ge [sflag:s22], $0x1  }
0xa2: {  	[sflag:s22] =	ssyncset.done $0x0  }
0xa3: {  	s23 =	simm.s32 $0x1B8E;
	[sflag:s22] =	ssyncadd.s32 $0xFFFFFFFF  }
0xa4: {  	s24 =	simm.s32 $execute0_lowered;
	[smem:$0x3FD2] =	sst s23  }
0xa5: {  	s4 =	sshll.u32 s24, $0x1;
	_ =	strace $0x80000046;
	[dreg:$0x1] =	wrdreg $0xFFFFFFFF  }
0xa6: {  	s25 =	simm.s32 $_size_execute0_lowered;
	s3 =	sadd.s32 s3, s4;
	[dreg:$0x0] =	wrdreg $0x0  }
0xa7: {  	s4 =	sshll.u32 s25, $0x1;
	[dreg:$0x2] =	wrdreg s3  }
0xa8: {  	[dreg:$0x3] =	wrdreg s4  }
0xa9: {  	[dreg:$0x4] =	wrdreg $0xC0  }
0xaa: {  	_ =	task [dreg:s7], $0x5FFFF  }
0xab: {  	[dreg:$0x1] =	wrdreg $0xFFFFFFFF  }
0xac: {  	[dreg:$0x0] =	wrdreg $0x60  }
0xad: {  	[dreg:$0x2] =	wrdreg s0  }
0xae: {  	[dreg:$0x3] =	wrdreg s17  }
0xaf: {  	[dreg:$0x4] =	wrdreg s2  }
0xb0: {  	[dreg:$0x5] =	wrdreg $0x28800  }
0xb1: {  	[dreg:$0x6] =	wrdreg $0x9  }
0xb2: {  	_ =	task.clear_ibuf [dreg:s7], $0x7FFFF;
	_ =	strace $0x90000046  }
0xb3: {  	s26 =	simm.s32 $0x9;
	_ =	strace $0x80000048  }
0xb4: {  	_ =	swait.ge [sflag:s26], $0x1  }
0xb5: {  	[sflag:s26] =	ssyncadd.s32 $0xFFFFFFFF  }
0xb6: {  	_ =	strace $0x90000048  }
0xb7: {  	_ =	sfence  }
0xb8: {  	s28 =	sld [smem:$0x0];
	_ =	sdelay $0x1  }
0xb9: {  	s29 =	srdreg.scid  }
0xba: {  	s30 =	sshll.u32 s29, $0xD;
	s31 =	sshrl.u32 s29, $0x2  }
0xbb: {  	s1 =	sand.u32 $0x1, s29;
	s2 =	sand.u32 $0x4000, s30;
	s0 =	sadd.s32 s31, s28  }
0xbc: {  	s1 =	sor.u32 s2, s1;
	s0 =	sshll.u32 s0, $0x11  }
0xbd: {  	s0 =	sor.u32 s0, s1  }
0xbe: {  	s0 =	sadd.s32 $0x8F2B, s0  }
0xbf: {  	[sflag:s0] =	ssyncadd.remote.s32 $0x1  }
0xc0: {  	_ =	sfence.sel $0xFFFF  }
0xc1: {  	[dreg:$0x0] =	wrdreg $0xFFFFFFFF;
	(pc) =	sbr.abs _section_cstart, $3  }
0xc2: {  	[dreg:$0x1] =	wrdreg $0xFFFFFFFF  }
0xc3: {  	_ =	task.clear_ibuf [dreg:s7], $0x2FFFF;
	_ =	strace $0x9FFFFFFF  }
0xc4: {  	(tm) =	ssettm $0x7FFFFFFF  }
0xc5: {  	_ =	shalt  }
tec
execute0_lowered:
.L_overlay_start_1:
0x0: {  	(tag) =	ssettag $0x1  }
0x1: {  	s5 =	rddreg [dreg:$0x0]  }
0x2: {  	s2 =	rddreg [dreg:$0x1]  }
0x3: {  	s1 =	rddreg [dreg:$0x2];
	s4 =	stileid.u32  }
0x4: {  	s3 =	rddreg [dreg:$0x3];
	s6 =	simm.s32 $0x0;
	s7 =	smul.u32 $0x2C0, s4  }
0x5: {  	[smem:$0x7FF] =	sst s6  }
0x6: {  	s0 =	rddreg [dreg:$0x4];
	_ =	strace $0x80000047;
	s7 =	sadd.s32 s5, s7  }
0x7: {  	[tilespmem:s6], [sflag:$0x1] =	stream.linear.gather [hbm4b:s7+s6], $0x80, $0x38;
	[tilespmem:$0x28A0] =	vst v63  }
0x8: {  	s8 =	simm.s32 $0x200;
	s5 =	sadd.s32 $0x40, s7  }
0x9: {  	[tilespmem:s8], [sflag:$0x1] =	stream.linear.gather [hbm4b:s5+s6], $0x80, $0x38;
	[tilespmem:$0x28A0] =	vst v63  }
0xa: {  	s11 =	simm.s32 $0x400;
	s10 =	sadd.s32 $0x80, s7  }
0xb: {  	[tilespmem:s11], [sflag:$0x1] =	stream.linear.gather [hbm4b:s10+s6], $0x80, $0x38;
	[tilespmem:$0x28A0] =	vst v63  }
0xc: {  	s13 =	simm.s32 $0x600;
	s12 =	sadd.s32 $0xC0, s7  }
0xd: {  	[tilespmem:s13], [sflag:$0x1] =	stream.linear.gather [hbm4b:s12+s6], $0x80, $0x38;
	[tilespmem:$0x28A0] =	vst v63  }
0xe: {  	s15 =	simm.s32 $0x800;
	s14 =	sadd.s32 $0x100, s7  }
0xf: {  	[tilespmem:s15], [sflag:$0x1] =	stream.linear.gather [hbm4b:s14+s6], $0x80, $0x38;
	[tilespmem:$0x28A0] =	vst v63  }
0x10: {  	s17 =	simm.s32 $0xA00;
	s16 =	sadd.s32 $0x140, s7  }
0x11: {  	[tilespmem:s17], [sflag:$0x1] =	stream.linear.gather [hbm4b:s16+s6], $0x80, $0x38;
	[tilespmem:$0x28A0] =	vst v63  }
0x12: {  	s19 =	simm.s32 $0xC00;
	s18 =	sadd.s32 $0x180, s7  }
0x13: {  	[tilespmem:s19], [sflag:$0x1] =	stream.linear.gather [hbm4b:s18+s6], $0x80, $0x38;
	[tilespmem:$0x28A0] =	vst v63  }
0x14: {  	s21 =	simm.s32 $0xE00;
	s20 =	sadd.s32 $0x1C0, s7  }
0x15: {  	[tilespmem:s21], [sflag:$0x1] =	stream.linear.gather [hbm4b:s20+s6], $0x80, $0x38;
	[tilespmem:$0x28A0] =	vst v63  }
0x16: {  	s23 =	simm.s32 $0x1000;
	s22 =	sadd.s32 $0x200, s7  }
0x17: {  	[tilespmem:s23], [sflag:$0x1] =	stream.linear.gather [hbm4b:s22+s6], $0x80, $0x38;
	[tilespmem:$0x28A0] =	vst v63  }
0x18: {  	s25 =	simm.s32 $0x1200;
	s24 =	sadd.s32 $0x240, s7  }
0x19: {  	[tilespmem:s25], [sflag:$0x1] =	stream.linear.gather [hbm4b:s24+s6], $0x80, $0x38;
	[tilespmem:$0x28A0] =	vst v63  }
0x1a: {  	s28 =	simm.s32 $0x1400;
	s26 =	sadd.s32 $0x280, s7;
	s8 =	simm.s32 $0x1  }
0x1b: {  	[tilespmem:s28], [sflag:$0x1] =	stream.linear.gather [hbm4b:s26+s6], $0x80, $0x38;
	[tilespmem:$0x28A0] =	vst v63  }
0x1c: {  	_ =	swait.ge [sflag:s8], $0x580  }
0x1d: {  	[sflag:s8] =	ssyncset.done $0x0  }
0x1e: {  	s9 =	simm.s32 $0x80;
	s29 =	sadd.s32 $0x10, s7;
	[sflag:s8] =	ssyncadd.s32 $0xFFFFFA80  }
0x1f: {  	[tilespmem:s9], [sflag:$0x1] =	stream.linear.gather [hbm4b:s29+s6], $0x80, $0x38;
	[tilespmem:$0x28A0] =	vst v63  }
0x20: {  	s31 =	simm.s32 $0x280;
	s30 =	sadd.s32 $0x50, s7  }
0x21: {  	[tilespmem:s31], [sflag:$0x1] =	stream.linear.gather [hbm4b:s30+s6], $0x80, $0x38;
	[tilespmem:$0x28A0] =	vst v63  }
0x22: {  	s10 =	simm.s32 $0x480;
	s9 =	sadd.s32 $0x90, s7  }
0x23: {  	[tilespmem:s10], [sflag:$0x1] =	stream.linear.gather [hbm4b:s9+s6], $0x80, $0x38;
	[tilespmem:$0x28A0] =	vst v63  }
0x24: {  	s11 =	sadd.s32 $0xD0, s7;
	s12 =	simm.s32 $0x680  }
0x25: {  	[tilespmem:s12], [sflag:$0x1] =	stream.linear.gather [hbm4b:s11+s6], $0x80, $0x38;
	[tilespmem:$0x28A0] =	vst v63  }
0x26: {  	s13 =	sadd.s32 $0x110, s7;
	s14 =	simm.s32 $0x880  }
0x27: {  	[tilespmem:s14], [sflag:$0x1] =	stream.linear.gather [hbm4b:s13+s6], $0x80, $0x38;
	[tilespmem:$0x28A0] =	vst v63  }
0x28: {  	s15 =	sadd.s32 $0x150, s7;
	s16 =	simm.s32 $0xA80  }
0x29: {  	[tilespmem:s16], [sflag:$0x1] =	stream.linear.gather [hbm4b:s15+s6], $0x80, $0x38;
	[tilespmem:$0x28A0] =	vst v63  }
0x2a: {  	s17 =	sadd.s32 $0x190, s7;
	s18 =	simm.s32 $0xC80  }
0x2b: {  	[tilespmem:s18], [sflag:$0x1] =	stream.linear.gather [hbm4b:s17+s6], $0x80, $0x38;
	[tilespmem:$0x28A0] =	vst v63  }
0x2c: {  	s19 =	sadd.s32 $0x1D0, s7;
	s20 =	simm.s32 $0xE80  }
0x2d: {  	[tilespmem:s20], [sflag:$0x1] =	stream.linear.gather [hbm4b:s19+s6], $0x80, $0x38;
	[tilespmem:$0x28A0] =	vst v63  }
0x2e: {  	s21 =	sadd.s32 $0x210, s7;
	s22 =	simm.s32 $0x1080  }
0x2f: {  	[tilespmem:s22], [sflag:$0x1] =	stream.linear.gather [hbm4b:s21+s6], $0x80, $0x38;
	[tilespmem:$0x28A0] =	vst v63  }
0x30: {  	s23 =	sadd.s32 $0x250, s7;
	s24 =	simm.s32 $0x1280  }
0x31: {  	[tilespmem:s24], [sflag:$0x1] =	stream.linear.gather [hbm4b:s23+s6], $0x80, $0x38;
	[tilespmem:$0x28A0] =	vst v63  }
0x32: {  	s25 =	sadd.s32 $0x290, s7;
	s26 =	simm.s32 $0x1480  }
0x33: {  	[tilespmem:s26], [sflag:$0x1] =	stream.linear.gather [hbm4b:s25+s6], $0x80, $0x38;
	[tilespmem:$0x28A0] =	vst v63  }
0x34: {  	_ =	swait.ge [sflag:s8], $0x580  }
0x35: {  	[sflag:s8] =	ssyncset.done $0x0  }
0x36: {  	s28 =	sadd.s32 $0x20, s7;
	s29 =	simm.s32 $0x100;
	[sflag:s8] =	ssyncadd.s32 $0xFFFFFA80  }
0x37: {  	[tilespmem:s29], [sflag:$0x1] =	stream.linear.gather [hbm4b:s28+s6], $0x80, $0x38;
	[tilespmem:$0x28A0] =	vst v63  }
0x38: {  	s30 =	sadd.s32 $0x60, s7;
	s31 =	simm.s32 $0x300  }
0x39: {  	[tilespmem:s31], [sflag:$0x1] =	stream.linear.gather [hbm4b:s30+s6], $0x80, $0x38;
	[tilespmem:$0x28A0] =	vst v63  }
0x3a: {  	s9 =	sadd.s32 $0xA0, s7;
	s10 =	simm.s32 $0x500  }
0x3b: {  	[tilespmem:s10], [sflag:$0x1] =	stream.linear.gather [hbm4b:s9+s6], $0x80, $0x38;
	[tilespmem:$0x28A0] =	vst v63  }
0x3c: {  	s11 =	sadd.s32 $0xE0, s7;
	s12 =	simm.s32 $0x700  }
0x3d: {  	[tilespmem:s12], [sflag:$0x1] =	stream.linear.gather [hbm4b:s11+s6], $0x80, $0x38;
	[tilespmem:$0x28A0] =	vst v63  }
0x3e: {  	s13 =	sadd.s32 $0x120, s7;
	s14 =	simm.s32 $0x900  }
0x3f: {  	[tilespmem:s14], [sflag:$0x1] =	stream.linear.gather [hbm4b:s13+s6], $0x80, $0x38;
	[tilespmem:$0x28A0] =	vst v63  }
0x40: {  	s15 =	sadd.s32 $0x160, s7;
	s16 =	simm.s32 $0xB00  }
0x41: {  	[tilespmem:s16], [sflag:$0x1] =	stream.linear.gather [hbm4b:s15+s6], $0x80, $0x38;
	[tilespmem:$0x28A0] =	vst v63  }
0x42: {  	s17 =	sadd.s32 $0x1A0, s7;
	s18 =	simm.s32 $0xD00  }
0x43: {  	[tilespmem:s18], [sflag:$0x1] =	stream.linear.gather [hbm4b:s17+s6], $0x80, $0x38;
	[tilespmem:$0x28A0] =	vst v63  }
0x44: {  	s19 =	sadd.s32 $0x1E0, s7;
	s20 =	simm.s32 $0xF00  }
0x45: {  	[tilespmem:s20], [sflag:$0x1] =	stream.linear.gather [hbm4b:s19+s6], $0x80, $0x38;
	[tilespmem:$0x28A0] =	vst v63  }
0x46: {  	s21 =	sadd.s32 $0x220, s7;
	s22 =	simm.s32 $0x1100  }
0x47: {  	[tilespmem:s22], [sflag:$0x1] =	stream.linear.gather [hbm4b:s21+s6], $0x80, $0x38;
	[tilespmem:$0x28A0] =	vst v63  }
0x48: {  	s23 =	sadd.s32 $0x260, s7;
	s24 =	simm.s32 $0x1300  }
0x49: {  	[tilespmem:s24], [sflag:$0x1] =	stream.linear.gather [hbm4b:s23+s6], $0x80, $0x38;
	[tilespmem:$0x28A0] =	vst v63  }
0x4a: {  	s25 =	sadd.s32 $0x2A0, s7;
	s26 =	simm.s32 $0x1500  }
0x4b: {  	[tilespmem:s26], [sflag:$0x1] =	stream.linear.gather [hbm4b:s25+s6], $0x80, $0x38;
	[tilespmem:$0x28A0] =	vst v63  }
0x4c: {  	_ =	swait.ge [sflag:s8], $0x580  }
0x4d: {  	[sflag:s8] =	ssyncset.done $0x0  }
0x4e: {  	s28 =	sadd.s32 $0x30, s7;
	s29 =	simm.s32 $0x180;
	[sflag:s8] =	ssyncadd.s32 $0xFFFFFA80  }
0x4f: {  	[tilespmem:s29], [sflag:$0x1] =	stream.linear.gather [hbm4b:s28+s6], $0x80, $0x38;
	[tilespmem:$0x28A0] =	vst v63  }
0x50: {  	s30 =	sadd.s32 $0x70, s7;
	s31 =	simm.s32 $0x380  }
0x51: {  	[tilespmem:s31], [sflag:$0x1] =	stream.linear.gather [hbm4b:s30+s6], $0x80, $0x38;
	[tilespmem:$0x28A0] =	vst v63  }
0x52: {  	s9 =	sadd.s32 $0xB0, s7;
	s10 =	simm.s32 $0x580  }
0x53: {  	[tilespmem:s10], [sflag:$0x1] =	stream.linear.gather [hbm4b:s9+s6], $0x80, $0x38;
	[tilespmem:$0x28A0] =	vst v63  }
0x54: {  	s11 =	sadd.s32 $0xF0, s7;
	s12 =	simm.s32 $0x780  }
0x55: {  	[tilespmem:s12], [sflag:$0x1] =	stream.linear.gather [hbm4b:s11+s6], $0x80, $0x38;
	[tilespmem:$0x28A0] =	vst v63  }
0x56: {  	s13 =	sadd.s32 $0x130, s7;
	s14 =	simm.s32 $0x980  }
0x57: {  	[tilespmem:s14], [sflag:$0x1] =	stream.linear.gather [hbm4b:s13+s6], $0x80, $0x38;
	[tilespmem:$0x28A0] =	vst v63  }
0x58: {  	s15 =	sadd.s32 $0x170, s7;
	s16 =	simm.s32 $0xB80  }
0x59: {  	[tilespmem:s16], [sflag:$0x1] =	stream.linear.gather [hbm4b:s15+s6], $0x80, $0x38;
	[tilespmem:$0x28A0] =	vst v63  }
0x5a: {  	s5 =	smul.u32 $0x580, s4;
	s17 =	sadd.s32 $0x1B0, s7;
	s10 =	simm.s32 $0xD80  }
0x5b: {  	[tilespmem:s10], [sflag:$0x1] =	stream.linear.gather [hbm4b:s17+s6], $0x80, $0x38;
	[tilespmem:$0x28A0] =	vst v63  }
0x5c: {  	v0 =	vmov s5;
	s18 =	sadd.s32 $0x1F0, s7;
	s19 =	simm.s32 $0xF80  }
0x5d: {  	v5 =	vbroadcast v0, $0x0;
	[tilespmem:s19], [sflag:$0x1] =	stream.linear.gather [hbm4b:s18+s6], $0x80, $0x38;
	[tilespmem:$0x28A0] =	vst v63  }
0x5e: {  	v1 =	vlaneseq.u32;
	s20 =	sadd.s32 $0x230, s7;
	s21 =	simm.s32 $0x1180  }
0x5f: {  	v3 =	vor.u32 v1, v5;
	[tilespmem:s21], [sflag:$0x1] =	stream.linear.gather [hbm4b:s20+s6], $0x80, $0x38;
	[tilespmem:$0x28A0] =	vst v63  }
0x60: {  	v0 =	vmulhi.u32 $0x38E38E39, v3;
	s22 =	sadd.s32 $0x270, s7;
	s23 =	simm.s32 $0x1380  }
0x61: {  	[tilespmem:s23], [sflag:$0x1] =	stream.linear.gather [hbm4b:s22+s6], $0x80, $0x38;
	[tilespmem:$0x28A0] =	vst v63  }
0x62: {  	v2 =	vshrl.u32 v0, $0x1;
	v0 =	vmulhi.u32 $0x91A2B3C5, v3;
	s7 =	sadd.s32 $0x2B0, s7;
	s24 =	simm.s32 $0x1580  }
0x63: {  	v4 =	vmul.u32 $0xFFFFFFF7, v2;
	[tilespmem:s24], [sflag:$0x1] =	stream.linear.gather [hbm4b:s7+s6], $0x80, $0x38;
	[tilespmem:$0x28A0] =	vst v63  }
0x64: {  	v6 =	vsub.s32 $0x0, v3;
	v7 =	vshrl.u32 v0, $0x8;
	_ =	swait.ge [sflag:s8], $0x580  }
0x65: {  	vm0 =	veq.s32 v5, v1;
	vm1 =	vne.s32 v4, v6;
	v4 =	vmul.u32 $0xFFFFFE3E, v7;
	[sflag:s8] =	ssyncset.done $0x0  }
0x66: {  	v0 =	vimm.s32 $0x0;
	vm1 =	vmand vm0, vm1;
	[sflag:s8] =	ssyncadd.s32 $0xFFFFFA80  }
0x67: {  	v8 =	vsel vm1, $0xFFFFFFFF, v0;
	vm1 =	vne.s32 v4, v6;
	v4 =	vld [tilespmem:$0x100]  }
0x68: {  	v6 =	vadd.s32 v8, v2;
	vm0 =	vmand vm0, vm1;
	v8 =	vld [tilespmem:$0x180]  }
0x69: {  	v2 =	vmul.u32 $0xFFFFFFF7, v6;
	v9 =	vsel vm0, $0xFFFFFFFF, v0  }
0x6a: {  	v7 =	vadd.s32 v9, v7  }
0x6b: {  	v9 =	vadd.s32 v3, v2;
	v10 =	vmul.u32 $0xFFFFFCE, v7  }
0x6c: {  	v2 =	vimm.f32 $3.520000000e+02;
	vm0 =	veq.s32 v9, $0x7;
	v4 =	vmul.f32 $1.442695020e+00, v4  }
0x6d: {  	vm1 =	veq.s32 v9, $0x6;
	v11 =	vsel vm0, $0x43300000, v2;
	v8 =	vmul.f32 $1.442695020e+00, v8  }
0x6e: {  	vm2 =	veq.s32 v9, $0x5;
	v11 =	vsel vm1, $0x42B00000, v11;
	(erf) = vpow2.f32 v4  }
0x6f: {  	vm3 =	veq.s32 v9, $0x4;
	v4 =	vsel vm2, $0x44000000, v11;
	(erf) = vpow2.f32 v8  }
0x70: {  	v7 =	vshll.u32 v7, $0x4;
	v8 =	vsel vm3, $0x43800000, v4;
	v4 =	vimm.f32 $7.040000000e+02  }
0x71: {  	vm4 =	veq.s32 v9, $0x3;
	vm5 =	veq.s32 v9, $0x2;
	v11 =	vsel vm0, $0x43B00000, v4  }
0x72: {  	v7 =	vor.u32 $0x8, v7;
	v6 =	vadd.s32 v6, v10;
	v11 =	vsel vm1, $0x43300000, v11  }
0x73: {  	vm0 =	veq.s32 v9, $0x1;
	vm1 =	veq.s32 v9, $0x0;
	v9 =	vsel vm2, $0x44000000, v11;
	v11 =	vld [tilespmem:$0x0]  }
0x74: {  	v7 =	vcvt.s32.f32 v7;
	v10 =	vld [tilespmem:$0x80];
	v8 =	vsel vm4, $0x43000000, v8;
	v9 =	vsel vm3, $0x43800000, v9  }
0x75: {  	v6 =	vshll.u32 v6, $0x4;
	v8 =	vsel vm5, $0x44380000, v8;
	v9 =	vsel vm4, $0x43000000, v9  }
0x76: {  	v6 =	vor.u32 $0x8, v6;
	v8 =	vsel vm0, $0x43B80000, v8;
	v9 =	vsel vm5, $0x43C00000, v9  }
0x77: {  	v6 =	vcvt.s32.f32 v6;
	v8 =	vsel vm1, $0x43380000, v8;
	v9 =	vsel vm0, $0x43400000, v9;
	v12 =	vpop (erf)  }
0x78: {  	v9 =	vsel vm1, $0x42C00000, v9;
	v11 =	vmul.f32 v11, v8;
	v8 =	vmul.f32 v12, v8;
	v12 =	vpop (erf)  }
0x79: {  	v10 =	vmul.f32 v10, v9;
	v9 =	vmul.f32 v12, v9  }
0x7a: {  	v6 =	vadd.f32 v6, v11;
	v8 =	vmul.f32 $5.000000000e-01, v8  }
0x7b: {  	v7 =	vadd.f32 v7, v10;
	v9 =	vmul.f32 $5.000000000e-01, v9  }
0x7c: {  	v10 =	vsub.f32 v6, v8;
	v6 =	vadd.f32 v8, v6  }
0x7d: {  	v11 =	vsub.f32 v7, v9;
	v7 =	vadd.f32 v9, v7  }
0x7e: {  	v10 =	vmax.f32 v10, $0.0e+00;
	v6 =	vmax.f32 v6, $0.0e+00  }
0x7f: {  	v8 =	vmin.f32 v10, $8.000000000e+02;
	v9 =	vmax.f32 v11, $0.0e+00;
	v7 =	vmax.f32 v7, $0.0e+00  }
0x80: {  	v6 =	vmin.f32 v6, $8.000000000e+02;
	v9 =	vmin.f32 v9, $8.000000000e+02;
	v7 =	vmin.f32 v7, $8.000000000e+02  }
0x81: {  	v10 =	vsub.f32 v6, v8;
	v11 =	vsub.f32 v7, v9  }
0x82: {  	p0 =	sne.s32 s4, $0x0  }
0x83: {  	[tilespmem:$0x1600] =	vst @!p0 v8;
	vm0 =	vge.f32 v10, $1.600000000e+01;
	vm1 =	vge.f32 v11, $1.600000000e+01  }
0x84: {  	vm2 =	vlt.u32 v3, $0x57E4;
	[tilespmem:$0x1700] =	vst @!p0 v6;
	vm0 =	vmand vm0, vm1  }
0x85: {  	s25 =	simm.s32 $0x10;
	s26 =	simm.s32 $0x40;
	[tilespmem:$0x1680] =	vst @!p0 v9;
	vm0 =	vmand vm2, vm0  }
0x86: {  	s28 =	sadd.s32 $0x10, s5;
	s6 =	sand.u32 $0x70, s25;
	s7 =	sand.u32 $0x1E00, s26;
	[tilespmem:$0x1780] =	vst @!p0 v7;
	v3 =	vsel vm0, $0x1, v0  }
0x87: {  	s6 =	sor.u32 s6, s7;
	v7 =	vor.u32 s28, v1;
	[tilespmem:$0x1800] =	vst @!p0 v3  }
0x88: {  	v6 =	vmulhi.u32 $0x91A2B3C5, v7;
	v8 =	vld [tilespmem:s6+$0x100]  }
0x89: {  	v9 =	vmulhi.u32 $0x38E38E39, v7;
	v10 =	vld [tilespmem:s6+$0x180];
	_ =	sdelay $0x1  }
0x8a: {  	v6 =	vshrl.u32 v6, $0x8;
	v9 =	vshrl.u32 v9, $0x1  }
0x8b: {  	v11 =	vmul.u32 $0xFFFFFFF7, v9;
	v12 =	vmul.u32 $0xFFFFFCE, v6;
	v6 =	vshll.u32 v6, $0x4  }
0x8c: {  	v6 =	vor.u32 $0x8, v6;
	v8 =	vmul.f32 $1.442695020e+00, v8  }
0x8d: {  	v9 =	vadd.s32 v9, v12;
	v11 =	vadd.s32 v7, v11;
	v10 =	vmul.f32 $1.442695020e+00, v10  }
0x8e: {  	v6 =	vcvt.s32.f32 v6;
	vm0 =	veq.s32 v11, $0x0;
	(erf) = vpow2.f32 v8  }
0x8f: {  	vm1 =	veq.s32 v11, $0x7;
	vm2 =	veq.s32 v11, $0x6;
	(erf) = vpow2.f32 v10  }
0x90: {  	v8 =	vshll.u32 v9, $0x4;
	v9 =	vsel vm1, $0x43300000, v2;
	v10 =	vsel vm1, $0x43B00000, v4  }
0x91: {  	v9 =	vsel vm2, $0x42B00000, v9;
	vm1 =	veq.s32 v11, $0x5;
	v10 =	vsel vm2, $0x43300000, v10  }
0x92: {  	v12 =	vld [tilespmem:s6+$0x0];
	v9 =	vsel vm1, $0x44000000, v9;
	vm2 =	veq.s32 v11, $0x4;
	v10 =	vsel vm1, $0x44000000, v10  }
0x93: {  	v13 =	vld [tilespmem:s6+$0x80];
	v9 =	vsel vm2, $0x43800000, v9;
	vm1 =	veq.s32 v11, $0x3;
	v10 =	vsel vm2, $0x43800000, v10  }
0x94: {  	v9 =	vsel vm1, $0x43000000, v9;
	vm2 =	veq.s32 v11, $0x2;
	v10 =	vsel vm1, $0x43000000, v10  }
0x95: {  	v9 =	vsel vm2, $0x44380000, v9;
	vm1 =	veq.s32 v11, $0x1;
	v10 =	vsel vm2, $0x43C00000, v10  }
0x96: {  	v8 =	vor.u32 $0x8, v8;
	v9 =	vsel vm1, $0x43B80000, v9;
	v10 =	vsel vm1, $0x43400000, v10  }
0x97: {  	v8 =	vcvt.s32.f32 v8;
	v9 =	vsel vm0, $0x43380000, v9;
	v10 =	vsel vm0, $0x42C00000, v10;
	v11 =	vpop (erf)  }
0x98: {  	v12 =	vmul.f32 v12, v9;
	v13 =	vmul.f32 v13, v10;
	v14 =	vpop (erf)  }
0x99: {  	vm1 =	vlt.u32 v7, $0x57E4;
	v9 =	vmul.f32 v11, v9;
	v10 =	vmul.f32 v14, v10  }
0x9a: {  	vm0 =	vlt.u32 v5, $0x1770;
	v11 =	vmov s28;
	v8 =	vadd.f32 v8, v12  }
0x9b: {  	s7 =	sadd.s32 $0x20, s5;
	v13 =	vadd.f32 v6, v13;
	v9 =	vmul.f32 $5.000000000e-01, v9;
	v10 =	vmul.f32 $5.000000000e-01, v10  }
0x9c: {  	v5 =	vnsel vm0, $0x0, v3;
	v6 =	vor.u32 s7, v1;
	vm0 =	vlt.u32 v11, $0x1770  }
0x9d: {  	s29 =	smul.u32 $0x1B0, s4;
	v7 =	vmulhi.u32 $0x91A2B3C5, v6;
	v11 =	vsub.f32 v8, v9;
	v14 =	vsub.f32 v13, v10  }
0x9e: {  	s30 =	simm.s32 $0x20;
	s8 =	simm.s32 $0x80;
	v12 =	vmulhi.u32 $0x38E38E39, v6;
	v9 =	vadd.f32 v9, v8;
	v10 =	vadd.f32 v10, v13  }
0x9f: {  	s9 =	sand.u32 $0x70, s30;
	s31 =	sand.u32 $0x1E00, s8;
	s6 =	sshrl.u32 s29, $0x3;
	v8 =	vshrl.u32 v7, $0x8;
	v7 =	vmax.f32 v11, $0.0e+00;
	v11 =	vmax.f32 v14, $0.0e+00  }
0xa0: {  	s4 =	sshll.u32 s4, $0x7;
	s10 =	sor.u32 s9, s31;
	s6 =	sadd.s32 s1, s6;
	v7 =	vmin.f32 v7, $8.000000000e+02;
	v14 =	vmax.f32 v9, $0.0e+00;
	v15 =	vmax.f32 v10, $0.0e+00  }
0xa1: {  	s4 =	sadd.s32 s4, s3;
	s9 =	simm.s32 $0x30;
	s6 =	sadd.s32 $0x98, s6;
	v13 =	vld [tilespmem:s10+$0x100];
	v9 =	vmin.f32 v11, $8.000000000e+02;
	v10 =	vmin.f32 v14, $8.000000000e+02;
	v11 =	vmin.f32 v15, $8.000000000e+02  }
.LBB2_1:
0xa2: {  	p1 =	sne.s32 s9, $0x570;
	v14 =	vld [tilespmem:s10+$0x180];
	v12 =	vshrl.u32 v12, $0x1;
	v7 =	vsub.f32 v10, v7;
	v9 =	vsub.f32 v11, v9  }
0xa3: {  	v11 =	vmul.u32 $0xFFFFFCE, v8;
	v8 =	vshll.u32 v8, $0x4;
	v10 =	vmul.u32 $0xFFFFFFF7, v12  }
0xa4: {  	v8 =	vor.u32 $0x8, v8;
	vm2 =	vge.f32 v7, $1.600000000e+01;
	vm3 =	vge.f32 v9, $1.600000000e+01  }
0xa5: {  	v7 =	vadd.s32 v12, v11;
	v8 =	vcvt.s32.f32 v8;
	vm2 =	vmand vm2, vm3  }
0xa6: {  	v9 =	vadd.s32 v6, v10;
	v10 =	vmul.f32 $1.442695020e+00, v13;
	vm2 =	vmand vm1, vm2  }
0xa7: {  	vm1 =	veq.s32 v9, $0x0;
	v11 =	vmul.f32 $1.442695020e+00, v14;
	v12 =	vsel vm2, $0x1, v0  }
0xa8: {  	v7 =	vshll.u32 v7, $0x4;
	(erf) = vpow2.f32 v10;
	v10 =	vnsel vm0, $0x0, v12  }
0xa9: {  	vm0 =	veq.s32 v9, $0x7;
	(erf) = vpow2.f32 v11;
	v5 =	vadd.s32 v5, v10  }
0xaa: {  	vm2 =	veq.s32 v9, $0x6;
	v10 =	vsel vm0, $0x43300000, v2;
	v11 =	vsel vm0, $0x43B00000, v4  }
0xab: {  	vm0 =	veq.s32 v9, $0x5;
	v10 =	vsel vm2, $0x42B00000, v10;
	v11 =	vsel vm2, $0x43300000, v11  }
0xac: {  	vm2 =	veq.s32 v9, $0x4;
	v10 =	vsel vm0, $0x44000000, v10;
	v11 =	vsel vm0, $0x44000000, v11;
	v13 =	vld [tilespmem:s10+$0x0]  }
0xad: {  	vm0 =	veq.s32 v9, $0x3;
	v10 =	vsel vm2, $0x43800000, v10;
	v11 =	vsel vm2, $0x43800000, v11;
	v14 =	vld [tilespmem:s10+$0x80]  }
0xae: {  	vm2 =	veq.s32 v9, $0x2;
	v10 =	vsel vm0, $0x43000000, v10;
	v11 =	vsel vm0, $0x43000000, v11  }
0xaf: {  	vm0 =	veq.s32 v9, $0x1;
	v10 =	vsel vm2, $0x44380000, v10;
	v9 =	vsel vm2, $0x43C00000, v11  }
0xb0: {  	v7 =	vor.u32 $0x8, v7;
	v10 =	vsel vm0, $0x43B80000, v10;
	v9 =	vsel vm0, $0x43400000, v9  }
0xb1: {  	v7 =	vcvt.s32.f32 v7;
	v10 =	vsel vm1, $0x43380000, v10;
	v9 =	vsel vm1, $0x42C00000, v9;
	v11 =	vpop (erf)  }
0xb2: {  	v3 =	vadd.s32 v12, v3;
	v13 =	vmul.f32 v13, v10;
	v14 =	vmul.f32 v14, v9;
	v15 =	vpop (erf)  }
0xb3: {  	v10 =	vmul.f32 v11, v10;
	v9 =	vmul.f32 v15, v9  }
0xb4: {  	v11 =	vmov s7;
	v7 =	vadd.f32 v7, v13  }
0xb5: {  	s7 =	sadd.s32 s9, s5;
	v8 =	vadd.f32 v8, v14;
	v10 =	vmul.f32 $5.000000000e-01, v10;
	v9 =	vmul.f32 $5.000000000e-01, v9  }
0xb6: {  	vm1 =	vlt.u32 v6, $0x57E4;
	v6 =	vor.u32 s7, v1;
	vm0 =	vlt.u32 v11, $0x1770  }
.Ltmp0:
0xb7: {  	v11 =	vmulhi.u32 $0x91A2B3C5, v6;
	v13 =	vsub.f32 v7, v10;
	v14 =	vsub.f32 v8, v9;
	(pc) =	sbr.rel @p1 .LBB2_1-.Ltmp0, $4  }
0xb8: {  	s8 =	sadd.s32 $0x40, s8;
	v12 =	vmulhi.u32 $0x38E38E39, v6;
	v10 =	vadd.f32 v10, v7;
	v9 =	vadd.f32 v9, v8  }
0xb9: {  	s11 =	sand.u32 $0x1E00, s8;
	s10 =	sand.u32 $0x70, s9;
	v8 =	vshrl.u32 v11, $0x8;
	v7 =	vmax.f32 v13, $0.0e+00;
	v11 =	vmax.f32 v14, $0.0e+00  }
0xba: {  	s10 =	sor.u32 s10, s11;
	v10 =	vmax.f32 v10, $0.0e+00;
	v7 =	vmin.f32 v7, $8.000000000e+02;
	v14 =	vmax.f32 v9, $0.0e+00  }
0xbb: {  	s9 =	sadd.s32 $0x10, s9;
	v10 =	vmin.f32 v10, $8.000000000e+02;
	v9 =	vmin.f32 v11, $8.000000000e+02;
	v11 =	vmin.f32 v14, $8.000000000e+02;
	v13 =	vld [tilespmem:s10+$0x100]  }
0xbc: {  	v1 =	vld [tilespmem:s10+$0x180];
	_ =	sdelay $0x2  }
0xbd: {  	v12 =	vshrl.u32 v12, $0x1;
	v15 =	vmul.u32 $0xFFFFFCE, v8  }
0xbe: {  	v50 =	vshll.u32 v8, $0x4;
	v14 =	vmul.u32 $0xFFFFFFF7, v12;
	v13 =	vmul.f32 $1.442695020e+00, v13  }
0xbf: {  	v8 =	vor.u32 $0x8, v50;
	v12 =	vadd.s32 v12, v15;
	v1 =	vmul.f32 $1.442695020e+00, v1  }
0xc0: {  	v8 =	vcvt.s32.f32 v8;
	v14 =	vadd.s32 v6, v14;
	(erf) = vpow2.f32 v13  }
0xc1: {  	v12 =	vshll.u32 v12, $0x4;
	vm2 =	veq.s32 v14, $0x7;
	(erf) = vpow2.f32 v1  }
0xc2: {  	vm3 =	veq.s32 v14, $0x6;
	vm13 =	veq.s32 v14, $0x5;
	v46 =	vsel vm2, $0x43300000, v2  }
0xc3: {  	vm14 =	veq.s32 v14, $0x4;
	v47 =	vsel vm2, $0x43B00000, v4;
	v1 =	vsel vm3, $0x42B00000, v46  }
0xc4: {  	vm15 =	veq.s32 v14, $0x3;
	v2 =	vsel vm3, $0x43300000, v47;
	v1 =	vsel vm13, $0x44000000, v1  }
0xc5: {  	v48 =	vld [tilespmem:s10+$0x0];
	vm6 =	veq.s32 v14, $0x2;
	v2 =	vsel vm13, $0x44000000, v2;
	v1 =	vsel vm14, $0x43800000, v1  }
0xc6: {  	v49 =	vld [tilespmem:s10+$0x80];
	vm7 =	veq.s32 v14, $0x1;
	v2 =	vsel vm14, $0x43800000, v2;
	v1 =	vsel vm15, $0x43000000, v1  }
0xc7: {  	vm8 =	veq.s32 v14, $0x0;
	v2 =	vsel vm15, $0x43000000, v2;
	v1 =	vsel vm6, $0x44380000, v1  }
0xc8: {  	v12 =	vor.u32 $0x8, v12;
	v2 =	vsel vm6, $0x43C00000, v2;
	v1 =	vsel vm7, $0x43B80000, v1  }
0xc9: {  	v12 =	vcvt.s32.f32 v12;
	v2 =	vsel vm7, $0x43400000, v2;
	v1 =	vsel vm8, $0x43380000, v1;
	v51 =	vpop (erf)  }
0xca: {  	v2 =	vsel vm8, $0x42C00000, v2;
	v4 =	vmul.f32 v48, v1;
	v1 =	vmul.f32 v51, v1;
	v52 =	vpop (erf)  }
0xcb: {  	v13 =	vmul.f32 v49, v2;
	v2 =	vmul.f32 v52, v2  }
0xcc: {  	v7 =	vsub.f32 v10, v7;
	v4 =	vadd.f32 v12, v4;
	v1 =	vmul.f32 $5.000000000e-01, v1  }
0xcd: {  	v9 =	vsub.f32 v11, v9;
	v8 =	vadd.f32 v8, v13;
	v2 =	vmul.f32 $5.000000000e-01, v2  }
0xce: {  	v53 =	vsub.f32 v4, v1;
	v1 =	vadd.f32 v1, v4  }
0xcf: {  	v54 =	vsub.f32 v8, v2;
	v2 =	vadd.f32 v2, v8  }
0xd0: {  	vm9 =	vge.f32 v7, $1.600000000e+01;
	v55 =	vmax.f32 v53, $0.0e+00;
	v1 =	vmax.f32 v1, $0.0e+00  }
0xd1: {  	v56 =	vmax.f32 v54, $0.0e+00;
	v4 =	vmin.f32 v55, $8.000000000e+02;
	v2 =	vmax.f32 v2, $0.0e+00  }
0xd2: {  	v1 =	vmin.f32 v1, $8.000000000e+02;
	v7 =	vmin.f32 v56, $8.000000000e+02;
	v2 =	vmin.f32 v2, $8.000000000e+02  }
0xd3: {  	vm10 =	vge.f32 v9, $1.600000000e+01;
	v1 =	vsub.f32 v1, v4;
	v2 =	vsub.f32 v2, v7  }
0xd4: {  	vm2 =	vmand vm9, vm10  }
0xd5: {  	vm1 =	vmand vm1, vm2;
	vm11 =	vge.f32 v1, $1.600000000e+01;
	vm12 =	vge.f32 v2, $1.600000000e+01  }
0xd6: {  	v57 =	vsel vm1, $0x1, v0;
	vm13 =	vlt.u32 v6, $0x57E4;
	vm2 =	vmand vm11, vm12  }
0xd7: {  	v59 =	vmov s7;
	v58 =	vnsel vm0, $0x0, v57;
	vm14 =	vmand vm13, vm2  }
0xd8: {  	vm15 =	vlt.u32 v59, $0x1770;
	v1 =	vadd.s32 v57, v3;
	v60 =	vsel vm14, $0x1, v0  }
0xd9: {  	v2 =	vadd.s32 v5, v58;
	v61 =	vnsel vm15, $0x0, v60;
	v0 =	vadd.s32 v60, v1  }
0xda: {  	v62 =	vadd.s32 v2, v61;
	[tilespmem:$0x1880] =	vst v0  }
0xdb: {  	s5 =	simm.s32 $0x1880;
	[tilespmem:$0x1890] =	vst v62  }
0xdc: {  	[spmem:s4] =	stream.linear.scatter [tilespmem:s5], [sflag:$0x1], $0x80, $0x38;
	[tilespmem:$0x28A0] =	vst v63  }
0xdd: {  	s5 =	simm.s32 $0x1  }
0xde: {  	_ =	swait.ge [sflag:s5], $0x80  }
0xdf: {  	[sflag:s5] =	ssyncset.done $0x0  }
0xe0: {  	v63 =	vimm.f32 $0.0e+00;
	[sflag:s5] =	ssyncadd.s32 $0xFFFFFF80  }
0xe1: {  	[tilespmem:$0x2680] =	vst v63  }
0xe2: {  	[tilespmem:$0x2690] =	vst v63  }
0xe3: {  	[tilespmem:$0x26A0] =	vst v63  }
0xe4: {  	[tilespmem:$0x26B0] =	vst v63  }
0xe5: {  	[tilespmem:$0x26C0] =	vst v63  }
0xe6: {  	[tilespmem:$0x26D0] =	vst v63  }
0xe7: {  	[tilespmem:$0x26E0] =	vst v63  }
0xe8: {  	[tilespmem:$0x26F0] =	vst v63  }
0xe9: {  	[tilespmem:$0x2700] =	vst v63  }
0xea: {  	[tilespmem:$0x2710] =	vst v63  }
0xeb: {  	[tilespmem:$0x2720] =	vst v63  }
0xec: {  	[tilespmem:$0x2730] =	vst v63  }
0xed: {  	[tilespmem:$0x2740] =	vst v63  }
0xee: {  	[tilespmem:$0x2750] =	vst v63  }
0xef: {  	[tilespmem:$0x2760] =	vst v63  }
0xf0: {  	[tilespmem:$0x2770] =	vst v63  }
0xf1: {  	[tilespmem:$0x2780] =	vst v63  }
0xf2: {  	[tilespmem:$0x2790] =	vst v63  }
0xf3: {  	[tilespmem:$0x27A0] =	vst v63  }
0xf4: {  	[tilespmem:$0x27B0] =	vst v63  }
0xf5: {  	[tilespmem:$0x27C0] =	vst v63  }
0xf6: {  	[tilespmem:$0x27D0] =	vst v63  }
0xf7: {  	[tilespmem:$0x27E0] =	vst v63  }
0xf8: {  	[tilespmem:$0x27F0] =	vst v63  }
0xf9: {  	[tilespmem:$0x2800] =	vst v63  }
0xfa: {  	[tilespmem:$0x2810] =	vst v63  }
0xfb: {  	s31 =	simm.s32 $0x2680;
	s4 =	simm.s32 $0x0;
	[tilespmem:$0x2820] =	vst v63  }
0xfc: {  	[hbm4b:s6+s4] =	stream.linear.scatter [tilespmem:s31], [sflag:$0x1], $0x1B0, $0x38;
	[tilespmem:$0x28A0] =	vst v63  }
0xfd: {  	_ =	swait.ge [sflag:s5], $0x1B0  }
0xfe: {  	[sflag:s5] =	ssyncset.done $0x0  }
0xff: {  	[sflag:s5] =	ssyncadd.s32 $0xFFFFFE50  }
0x100: {  	[bflag:$0x0] =	sbarrier.arrive $0xFFFF  }
0x101: {  	_ =	sfence.sel @p0 $0x180000  }
0x102: {  	[bflag:$0x0] =	sbarrier.arrive @p0 $0xFFFF  }
0x103: {  	_ =	strace @p0 $0x90000047  }
0x104: {  	[bflag:$0x2] =	sbarrier.arrive @p0 $0xFFFF  }
0x105: {  	_ =	shalt @p0  }
.LBB2_3:
0x106: {  	s6 =	simm.s32 $0x1980  }
0x107: {  	[tilespmem:s6], [sflag:$0x1] =	stream.linear.gather [spmem:s3], $0x800, $0x38;
	[tilespmem:$0x28A0] =	vst v63  }
0x108: {  	_ =	swait.ge [sflag:s5], $0x800  }
0x109: {  	[sflag:s5] =	ssyncset.done $0x0  }
0x10a: {  	s29 =	simm.s32 $0x1900;
	[sflag:s5] =	ssyncadd.s32 $0xFFFFF800  }
0x10b: {  	[tilespmem:s29], [sflag:$0x1] =	stream.linear.gather [hbm4b:s2+s4], $0x8, $0x38;
	[tilespmem:$0x28A0] =	vst v63  }
0x10c: {  	_ =	swait.ge [sflag:s5], $0x8  }
0x10d: {  	[sflag:s5] =	ssyncset.done $0x0  }
0x10e: {  	[sflag:s5] =	ssyncadd.s32 $0xFFFFFFF8  }
0x10f: {  	v0 =	vld [tilespmem:$0x1980]  }
0x110: {  	v1 =	vld [tilespmem:$0x1990]  }
0x111: {  	v2 =	vld [tilespmem:$0x1A00]  }
0x112: {  	v3 =	vld [tilespmem:$0x1A10]  }
0x113: {  	v4 =	vld [tilespmem:$0x1A80]  }
0x114: {  	v5 =	vld [tilespmem:$0x1A90]  }
0x115: {  	v6 =	vld [tilespmem:$0x1B00]  }
0x116: {  	v7 =	vld [tilespmem:$0x1B10]  }
0x117: {  	v8 =	vld [tilespmem:$0x1B80]  }
0x118: {  	v9 =	vld [tilespmem:$0x1B90]  }
0x119: {  	v10 =	vld [tilespmem:$0x1C00]  }
0x11a: {  	v11 =	vld [tilespmem:$0x1C10]  }
0x11b: {  	v12 =	vld [tilespmem:$0x1C80]  }
0x11c: {  	v13 =	vld [tilespmem:$0x1C90]  }
0x11d: {  	v14 =	vld [tilespmem:$0x1D00]  }
0x11e: {  	v15 =	vld [tilespmem:$0x1D10]  }
0x11f: {  	v16 =	vld [tilespmem:$0x1D80]  }
0x120: {  	v17 =	vld [tilespmem:$0x1D90]  }
0x121: {  	v18 =	vld [tilespmem:$0x1E00]  }
0x122: {  	v19 =	vld [tilespmem:$0x1E10]  }
0x123: {  	v20 =	vld [tilespmem:$0x1E80]  }
0x124: {  	v21 =	vld [tilespmem:$0x1E90]  }
0x125: {  	v49 =	vld [tilespmem:$0x1600];
	v0 =	vadd.s32 v0, v2  }
0x126: {  	v50 =	vld [tilespmem:$0x1680];
	v1 =	vadd.s32 v1, v3;
	v0 =	vadd.s32 v0, v4  }
0x127: {  	v51 =	vld [tilespmem:$0x1700];
	v1 =	vadd.s32 v1, v5;
	v0 =	vadd.s32 v0, v6  }
0x128: {  	v52 =	vld [tilespmem:$0x1780];
	v1 =	vadd.s32 v1, v7;
	v0 =	vadd.s32 v0, v8  }
0x129: {  	v2 =	vld [tilespmem:$0x1F00];
	v1 =	vadd.s32 v1, v9;
	v0 =	vadd.s32 v0, v10  }
0x12a: {  	v3 =	vld [tilespmem:$0x1F10];
	v1 =	vadd.s32 v1, v11;
	v0 =	vadd.s32 v0, v12  }
0x12b: {  	v4 =	vld [tilespmem:$0x1F80];
	v1 =	vadd.s32 v1, v13;
	v0 =	vadd.s32 v0, v14  }
0x12c: {  	v5 =	vld [tilespmem:$0x1F90];
	v1 =	vadd.s32 v1, v15;
	v0 =	vadd.s32 v0, v16  }
0x12d: {  	v6 =	vld [tilespmem:$0x2000];
	v1 =	vadd.s32 v1, v17;
	v0 =	vadd.s32 v0, v18  }
0x12e: {  	v7 =	vld [tilespmem:$0x2080];
	v1 =	vadd.s32 v1, v19;
	v0 =	vadd.s32 v0, v20  }
0x12f: {  	v1 =	vadd.s32 v1, v21;
	v0 =	vadd.s32 v0, v2;
	v2 =	vld [tilespmem:$0x2100]  }
0x130: {  	v53 =	vbroadcast v49, $0x1;
	v1 =	vadd.s32 v1, v3;
	v3 =	vld [tilespmem:$0x2010]  }
0x131: {  	v54 =	vbroadcast v50, $0x0;
	v55 =	vbroadcast v50, $0x1;
	v0 =	vadd.s32 v0, v4;
	v4 =	vld [tilespmem:$0x2090]  }
0x132: {  	v56 =	vbroadcast v52, $0x0;
	v1 =	vadd.s32 v1, v5;
	v0 =	vadd.s32 v0, v6;
	v6 =	vld [tilespmem:$0x2110]  }
0x133: {  	v5 =	vbroadcast v49, $0x0;
	v0 =	vadd.s32 v0, v7;
	v7 =	vbroadcast v51, $0x0  }
0x134: {  	v57 =	vbroadcast v51, $0x1;
	v58 =	vbroadcast v52, $0x1;
	v0 =	vadd.s32 v0, v2  }
0x135: {  	v1 =	vadd.s32 v1, v3;
	v3 =	vsub.f32 v56, v54;
	(xrf0) =	vadd.scan.msk.s32 $0xffff, v0;
	v0 =	vsub.f32 v7, v5  }
0x136: {  	v59 =	vsub.f32 v58, v55;
	v2 =	vld [tilespmem:$0x1900];
	v1 =	vadd.s32 v1, v4;
	v4 =	vsub.f32 v57, v53  }
0x137: {  	v1 =	vadd.s32 v1, v6;
	v0 =	vmul.f32 v3, v0  }
0x138: {  	(xrf0) =	vadd.scan.msk.s32 $0xffff, v1;
	v1 =	vmul.f32 v59, v4;
	v3 =	vmin.f32 v7, v57;
	v4 =	vmax.f32 v5, v53  }
0x139: {  	v6 =	vmin.f32 v56, v58;
	v7 =	vmax.f32 v54, v55;
	v3 =	vsub.f32 v3, v4  }
0x13a: {  	v6 =	vsub.f32 v6, v7;
	v4 =	vadd.f32 v0, v0  }
0x13b: {  	v5 =	vbroadcast v2, $0x0;
	v2 =	vbroadcast v2, $0x1;
	v61 =	vadd.f32 v1, v1  }
0x13c: {  	v3 =	vmax.f32 v3, $0.0e+00;
	v6 =	vmax.f32 v6, $0.0e+00;
	v4 =	vsub.f32 v4, v0  }
0x13d: {  	v7 =	vld [tilespmem:$0x1800];
	v60, _, _ =	vpop (xrf0);
	v62 =	vsub.f32 v61, v1;
	v3 =	vmul.f32 v6, v3;
	v6 =	vadd.f32 v1, v0  }
0x13e: {  	vm0 =	vgt.f32 v5, v2;
	(v2sf) =	vpush v60, $0xF;
	v4 =	vadd.f32 $9.999999710e-10, v4  }
0x13f: {  	vm1 =	vlt.f32 v5, v2;
	v63, _, _ =	vpop (xrf0);
	v2 =	vadd.f32 $9.999999710e-10, v62;
	v5 =	vsub.f32 v6, v3  }
0x140: {  	(v2sf) =	vpush v63, $0xF;
	(erf) = vrcp.f32 v4;
	v4 =	vimm.s32 $0x0  }
0x141: {  	v6 =	vsel vm0, $0x1, v4;
	v4 =	vsel vm1, $0x2, v4;
	(erf) = vrcp.f32 v2  }
0x142: {  	(v2sf) =	vpush v7, $0x0;
	v2 =	vor.u32 v6, v4  }
0x143: {  	(v2sf) =	vpush v2, $0x0  }
0x144: {  	(v2sf) =	vpush v49, $0x0  }
0x145: {  	(v2sf) =	vpush v49, $0x1  }
0x146: {  	v4 =	vadd.f32 $9.999999710e-10, v5;
	(v2sf) =	vpush v50, $0x0  }
0x147: {  	(v2sf) =	vpush v50, $0x1  }
0x148: {  	(v2sf) =	vpush v51, $0x0  }
0x149: {  	v2 =	vpop (erf);
	(v2sf) =	vpush v51, $0x1  }
0x14a: {  	(erf) = vrcp.f32 v4;
	v4 =	vpop (erf);
	(v2sf) =	vpush v52, $0x0;
	v0 =	vmul.f32 v2, v0  }
0x14b: {  	(v2sf) =	vpush v52, $0x1;
	v1 =	vmul.f32 v4, v1  }
0x14c: {  	(v2sf) =	vpush v0, $0x0  }
0x14d: {  	(v2sf) =	vpush v1, $0x0;
	_ =	sdelay $0x1  }
0x14e: {  	s13 =	spop (v2sf)  }
0x14f: {  	s14 =	spop (v2sf)  }
0x150: {  	s9 =	spop (v2sf)  }
0x151: {  	s15 =	spop (v2sf)  }
0x152: {  	s3 =	spop (v2sf)  }
0x153: {  	s2 =	spop (v2sf)  }
0x154: {  	s7 =	spop (v2sf)  }
0x155: {  	s6 =	spop (v2sf)  }
0x156: {  	s12 =	spop (v2sf)  }
0x157: {  	v0 =	vpop (erf);
	s10 =	spop (v2sf)  }
0x158: {  	v0 =	vmul.f32 v0, v3;
	s11 =	spop (v2sf)  }
0x159: {  	s8 =	spop (v2sf)  }
0x15a: {  	(v2sf) =	vpush v0, $0x0;
	s16 =	spop (v2sf)  }
0x15b: {  	s17 =	spop (v2sf);
	p0 =	sgt.f32 s16, $6.999999880e-01  }
0x15c: {  	s16 =	simm.s32 $0x1;
	p1 =	sgt.f32 s17, $6.999999880e-01  }
0x15d: {  	p2 =	seq.s32 s15, $0x2;
	s16 =	simm.s32 @!p0 $0x0  }
0x15e: {  	p0 =	seq.s32 s9, $0x1;
	s9 =	ssub.s32 $0x57E4, s13;
	s5 =	simm.s32 @!p1 $0x0  }
0x15f: {  	p1 =	sne.s32 s15, $0x1;
	p3 =	slt.s32 s9, $0x1770;
	p4 =	por p2, p0  }
0x160: {  	s15 =	ssub.s32 $0x1770, s14;
	p6 =	por !p1, !p4;
	p4 =	slt.s32 s13, $0x1770  }
0x161: {  	s15 =	smov.u32 @p0 s14;
	s14 =	smov.u32 s16;
	p0 =	por !p6, !p6  }
0x162: {  	s9 =	simm.s32 @!p3 $0x1770;
	s13 =	simm.s32 @!p4 $0x1770;
	s14 =	smov.u32 @p0 s5  }
0x163: {  	s15 =	smov.u32 @p2 s13;
	s13 =	simm.s32 $0x12C;
	p2 =	seq.s32 s14, $0x0  }
0x164: {  	s9 =	smov.u32 @p1 s15;
	s13 =	simm.s32 @!p2 $0x1  }
0x165: {  	s5 =	smov.u32 @p0 s16;
	p2 =	slt.s32 s13, s9  }
0x166: {  	vm4 =	vcmask $0x1F1C;
	s14 =	ssub.s32 $0x1770, s9;
	p1 =	sgt.s32 s9, $0x0;
	s9 =	smov.u32 @p2 s13  }
0x167: {  	vm5 =	vcmask $0xF0C;
	vm6 =	vcmask $0x2F2C;
	vm7 =	vcmask $0x1F18;
	p2 =	slt.s32 s14, $0x1;
	s13 =	smov.u32 s14;
	s16 =	ssub.s32 $0x12C, s9  }
0x168: {  	vm2 =	vcmask $0xF08;
	vm3 =	vcmask $0x3F3C;
	vm8 =	vcmask $0x2F28;
	p3 =	seq.s32 s5, $0x0;
	s13 =	simm.s32 @!p2 $0x1;
	p2 =	sgt.s32 s16, $0x0  }
0x169: {  	vm9 =	vcmask $0x3F38;
	vm10 =	vcmask $0x1F14;
	vm11 =	vcmask $0xF04;
	s30 =	spop (v2sf);
	s13 =	smov.u32 @p3 s14;
	s16 =	simm.s32 @!p2 $0x0  }
0x16a: {  	vm12 =	vcmask $0x2F24;
	vm13 =	vcmask $0x3F34;
	vm0 =	vmor vm5, vm4;
	s15 =	smov.u32 s12;
	s5 =	smov.u32 s11;
	p3 =	slt.s32 s13, s16  }
0x16b: {  	vm1 =	vmor vm2, vm7;
	vm2 =	vmor vm11, vm10;
	vm0 =	vmor vm0, vm6;
	s15 =	smov.u32 @p0 s10;
	p2 =	sgt.f32 s30, $6.999999880e-01;
	s16 =	smov.u32 @p3 s13  }
0x16c: {  	vm1 =	vmor vm1, vm8;
	vm0 =	vmor vm0, vm3;
	s5 =	smov.u32 @p0 s8;
	v0 =	vmov s15;
	s13 =	smov.u32 s7;
	s14 =	smov.u32 s16  }
0x16d: {  	vm2 =	vmor vm2, vm12;
	vm1 =	vmor vm1, vm9;
	s10 =	smov.u32 @p0 s12;
	v0 =	vsel vm0, s5, v0;
	s13 =	smov.u32 @p0 s6;
	s14 =	simm.s32 @p2 $0x0  }
0x16e: {  	v1 =	vlaneseq.u32;
	s8 =	smov.u32 @p0 s11;
	v4 =	vnsel vm1, s13, v0;
	v0 =	vmov s10;
	s16 =	smov.u32 @p1 s14  }
0x16f: {  	vm2 =	vmor vm2, vm13;
	s5 =	smov.u32 s3;
	s6 =	smov.u32 @p0 s7;
	v2 =	vsel vm0, s8, v0;
	v0 =	vshrl.u32 v1, $0x2;
	s31 =	sadd.s32 s9, s16  }
0x170: {  	s5 =	smov.u32 @p0 s2;
	s2 =	smov.u32 @p0 s3;
	v2 =	vnsel vm1, s6, v2;
	v5 =	vor.u32 s4, v0;
	v1 =	vmov s31  }
0x171: {  	v3 =	vmov s9;
	v2 =	vnsel vm2, s2, v2;
	vm14 =	vlt.s32 v5, v1  }
0x172: {  	v4 =	vnsel vm2, s5, v4;
	vm15 =	vlt.s32 v5, v3;
	v5 =	vnsel vm14, $0x0, v2  }
0x173: {  	s2 =	simm.s32 $0x2180;
	v5 =	vsel vm15, v4, v5  }
0x174: {  	s3 =	simm.s32 $0x4;
	[tilespmem:s2+$0x0] =	vst v5  }
.LBB2_4:
0x175: {  	p0 =	sne.s32 s3, $0x12C  }
.Ltmp1:
0x176: {  	v5 =	vor.u32 s3, v0;
	s3 =	sadd.s32 $0x4, s3;
	(pc) =	sbr.rel @p0 .LBB2_4-.Ltmp1, $4  }
0x177: {  	vm0 =	vlt.s32 v5, v1  }
0x178: {  	vm1 =	vlt.s32 v5, v3;
	v5 =	vnsel vm0, $0x0, v2  }
0x179: {  	s2 =	sadd.s32 $0x10, s2;
	v5 =	vsel vm1, v4, v5  }
0x17a: {  	[tilespmem:s2+$0x0] =	vst v5  }
0x17b: {  	s2 =	simm.s32 $0x0;
	s3 =	simm.s32 $0x2180;
	s31 =	simm.s32 $0x1  }
0x17c: {  	[hbm4b:s1+s2] =	stream.linear.scatter [tilespmem:s3], [sflag:$0x1], $0x4C0, $0x38;
	[tilespmem:$0x28A0] =	vst v63  }
0x17d: {  	_ =	swait.ge [sflag:s31], $0x4C0  }
0x17e: {  	[sflag:s31] =	ssyncset.done $0x0  }
0x17f: {  	[sflag:s31] =	ssyncadd.s32 $0xFFFFFB40  }
0x180: {  	_ =	sfence.sel $0x180000  }
0x181: {  	[bflag:$0x0] =	sbarrier.arrive $0xFFFF  }
0x182: {  	_ =	strace $0x90000047  }
0x183: {  	s0 =	sadd.s32 $0x100000, s0;
	[bflag:$0x2] =	sbarrier.arrive $0xFFFF  }
0x184: {  	[sflag:s0] =	ssyncadd.tile.s32 $0x1;
	_ =	shalt  }
.Lfunc_end2:
_tile_overlayer_lowered:
.L_overlay_start_2:
0x185: {  	(tag) =	ssettag $0x2  }
0x186: {  	s0 =	rddreg [dreg:$0x0];
	s2 =	stileid.u32  }
0x187: {  	s1 =	rddreg [dreg:$0x1];
	p0 =	sne.s32 s2, $0x0  }
0x188: {  	s3 =	rddreg [dreg:$0x2];
	[bflag:$0x3] =	sbarrier.arrive $0xFFFF;
	s2 =	simm.s32 @!p0 $0x1C01  }
0x189: {  	[timem:s3], [sflag:s2] =	dma.local @!p0 [hbm:s0], s1  }
0x18a: {  	s0 =	simm.s32 @!p0 $0x1  }
0x18b: {  	_ =	swait.ge @!p0 [sflag:s0], s1  }
0x18c: {  	s1 =	ssub.s32 @!p0 $0x0, s1;
	[sflag:s0] =	ssyncset.done @!p0 $0x0  }
0x18d: {  	[sflag:s0] =	ssyncadd.s32 @!p0 s1  }
0x18e: {  	[bflag:$0x3] =	sbarrier.arrive $0xFFFF  }
0x18f: {  	_ =	shalt  }

</sc_bundles>
